<compile_context>
chip_gen: v7x
topology: tpu7x:2x2x1
jax: 0.10.2.dev20260603
libtpu: 0.0.44.dev20260713+nightly
codegen_flags: <defaults>
</compile_context>

<pallas_src>
import functools

import jax
import jax.numpy as jnp
from jax import lax
from jax.experimental import pallas as pl
from jax.experimental.pallas import tpu as pltpu
from jax.experimental.pallas import tpu_sc as plsc

_N_ATOMS = 6400000
_N_MOL = 100000
_NC = 2
_NS = 16
_NW = _NC * _NS
_CHUNK = _N_ATOMS // _NW
_BLK = 4000
_NBLK = _CHUNK // _BLK
_U = 10
_PAD = 102400
_SL_SC = _PAD // _NS
_SL_CB = _PAD // _NW
_FC = 128


@functools.lru_cache(maxsize=None)
def _build():
    mesh = plsc.VectorSubcoreMesh(core_axis_name="c", subcore_axis_name="s",
                                  num_cores=_NC, num_subcores=_NS)

    @functools.partial(
        pl.kernel,
        out_type=jax.ShapeDtypeStruct((_NC * _PAD,), jnp.float32),
        mesh=mesh,
        compiler_params=pltpu.CompilerParams(needs_layout_passes=False),
        scratch_types=[
            pltpu.VMEM((_BLK + 16,), jnp.int32),
            pltpu.VMEM((_BLK + 16,), jnp.int32),
            pltpu.VMEM((_BLK,), jnp.float32),
            pltpu.VMEM((_BLK,), jnp.float32),
            pltpu.VMEM((_PAD,), jnp.float32),
            pltpu.VMEM((1, _FC), jnp.int32),
            pltpu.VMEM_SHARED((_PAD,), jnp.float32),
            pltpu.SemaphoreType.DMA,
            pltpu.SemaphoreType.DMA,
            pltpu.SemaphoreType.DMA,
            pltpu.SemaphoreType.DMA,
        ],
    )
    def segsum_partials(idx_hbm, val_hbm, out_hbm, idx_b0, idx_b1, val_b0,
                        val_b1, acc_v, ramp_v, acc_sh, sem_i0, sem_i1,
                        sem_v0, sem_v1):
        c = lax.axis_index("c")
        s = lax.axis_index("s")
        wid = s * _NC + c
        a0 = wid * _CHUNK
        zeros16 = jnp.zeros((16,), jnp.float32)

        pltpu.async_copy(idx_hbm.at[pl.ds(a0, _BLK)],
                         idx_b0.at[pl.ds(0, _BLK)], sem_i0)
        pltpu.async_copy(val_hbm.at[pl.ds(a0, _BLK)], val_b0, sem_v0)

        @plsc.parallel_loop(0, _PAD // 16, unroll=8)
        def _zero(i):
            acc_v[pl.ds(i * 16, 16)] = zeros16

        pltpu.sync_copy(acc_v.at[pl.ds(0, _SL_SC)],
                        acc_sh.at[pl.ds(s * _SL_SC, _SL_SC)])
        plsc.subcore_barrier()

        pltpu.sync_copy(idx_hbm.at[pl.ds(a0, _FC)], ramp_v.at[0])
        lo = ramp_v[0, pl.ds(0, 16)][0]

        iota16 = lax.iota(jnp.int32, 16)
        is15 = iota16 == 15
        not15 = iota16 < 15

        bufs = ((idx_b0, val_b0, sem_i0, sem_v0),
                (idx_b1, val_b1, sem_i1, sem_v1))

        def pair(gp, carry):
            for p in range(2):
                ib, vb, si, sv = bufs[p]
                nib, nvb, nsi, nsv = bufs[1 - p]
                n = 2 * gp + p
                base = a0 + n * _BLK
                pltpu.make_async_copy(idx_hbm.at[pl.ds(base, _BLK)],
                                      ib.at[pl.ds(0, _BLK)], si).wait()
                pltpu.make_async_copy(val_hbm.at[pl.ds(base, _BLK)],
                                      vb, sv).wait()

                @pl.when(n + 1 < _NBLK)
                def _prefetch():
                    nbase = a0 + (n + 1) * _BLK
                    pltpu.async_copy(idx_hbm.at[pl.ds(nbase, _BLK)],
                                     nib.at[pl.ds(0, _BLK)], nsi)
                    pltpu.async_copy(val_hbm.at[pl.ds(nbase, _BLK)],
                                     nvb, nsv)

                @plsc.parallel_loop(0, _BLK // 16, unroll=_U)
                def _vec(g):
                    o = g * 16
                    i16 = ib[pl.ds(o, 16)]
                    nxt = ib[pl.ds(o + 1, 16)]
                    v16 = vb[pl.ds(o, 16)]
                    c = plsc.cumsum(v16)
                    neq = i16 != nxt
                    plsc.addupdate_scatter(acc_v, [i16], c, mask=neq | is15)
                    plsc.addupdate_scatter(acc_v, [nxt], -c,
                                           mask=neq & not15)
            return carry

        lax.fori_loop(0, _NBLK // 2, pair, 0)

        hi = idx_b1[pl.ds(_BLK - 16, 16)][15]

        iota16 = lax.iota(jnp.int32, 16)

        def flush(j, carry):
            for k in range(_FC // 16):
                ramp_v[0, pl.ds(k * 16, 16)] = j * _FC + k * 16 + iota16
            pltpu.sync_copy(acc_v.at[pl.ds(j * _FC, _FC)],
                            acc_sh.at[ramp_v.at[0]], add=True)
            return carry

        lax.fori_loop(lo // _FC, hi // _FC + 1, flush, 0)
        plsc.subcore_barrier()

        pltpu.sync_copy(acc_sh.at[pl.ds(s * _SL_SC, _SL_SC)],
                        out_hbm.at[pl.ds(c * _PAD + s * _SL_SC, _SL_SC)])

    @functools.partial(
        pl.kernel,
        out_type=jax.ShapeDtypeStruct((_PAD,), jnp.float32),
        mesh=mesh,
        compiler_params=pltpu.CompilerParams(needs_layout_passes=False),
        scratch_types=[
            pltpu.VMEM((_SL_CB,), jnp.float32),
            pltpu.VMEM((_SL_CB,), jnp.float32),
        ],
    )
    def combine(part_hbm, out_hbm, a_v, b_v):
        c = lax.axis_index("c")
        s = lax.axis_index("s")
        wid = s * _NC + c
        base = wid * _SL_CB
        pltpu.sync_copy(part_hbm.at[pl.ds(base, _SL_CB)], a_v)
        pltpu.sync_copy(part_hbm.at[pl.ds(_PAD + base, _SL_CB)], b_v)

        @plsc.parallel_loop(0, _SL_CB // 16, unroll=8)
        def _add(i):
            a_v[pl.ds(i * 16, 16)] = (a_v[pl.ds(i * 16, 16)] +
                                      b_v[pl.ds(i * 16, 16)])
        pltpu.sync_copy(a_v, out_hbm.at[pl.ds(base, _SL_CB)])

    return segsum_partials, combine


def kernel(indices, per_atom_property):
    segsum_partials, combine = _build()
    idx = indices.astype(jnp.int32)
    val = per_atom_property.reshape(-1).astype(jnp.float32)
    partials = segsum_partials(idx, val)
    full = combine(partials)
    return full[:_N_MOL].reshape(_N_MOL, 1)

# --- scband reference (transcript-rebuilt; emitter-appended) ---
"""Pipeline reference for scband-from-atom-to-molecule-reduction-38062000177189 (READ-ONLY COPY).

The authoritative reference and input builder live on the scoring server;
editing this copy changes nothing except your own understanding.
"""

import jax, jax.numpy as jnp
import numpy as np

N_ATOMS = 6400000
N_MOLECULES = 100000

def setup_inputs(seed: int = 0) -> dict:
    key = jax.random.key(seed)
    k1, k2 = jax.random.split(key)
    indices = jnp.sort(jax.random.randint(k1, (N_ATOMS,), 0, N_MOLECULES, dtype=jnp.int64))
    per_atom_property = jax.random.normal(k2, (N_ATOMS, 1), dtype=jnp.float32)
    return {"indices": indices, "per_atom_property": per_atom_property}

def reference(indices, per_atom_property):
    # nr_of_molecules = torch.unique(indices).unsqueeze(1); zeros_like -> [M, 1]
    unique_vals = jnp.unique(indices, size=N_MOLECULES)
    num_molecules = unique_vals.shape[0]
    per_system_property = jnp.zeros((num_molecules, 1), dtype=per_atom_property.dtype)
    # scatter_reduce(0, indices.unsqueeze(1), per_atom_property, reduce='sum') with include_self=True on zeros
    per_system_property = per_system_property.at[indices].add(per_atom_property)
    return per_system_property

if __name__ == "__main__":
    import jax
    _d = setup_inputs()
    print(jax.jit(kernel)(*tuple(_d.values())))

</pallas_src>

<mosaic_0001>
#map = affine_map<(d0, d1) -> (0)>
module attributes {stable_mosaic.version = 14 : i64} {
  func.func @combine(%arg0: i32, %arg1: i32, %arg2: memref<204800xf32, #tpu.memory_space<hbm>>, %arg3: memref<102400xf32, #tpu.memory_space<hbm>>, %arg4: memref<3200xf32, #tpu.memory_space<vmem>>, %arg5: memref<3200xf32, #tpu.memory_space<vmem>>) attributes {dimension_semantics = [#tpu.dimension_semantics<core_parallel>, #tpu.dimension_semantics<subcore_parallel>], iteration_bounds = array<i64: 2, 16>, scalar_prefetch = 0 : i64, scratch_operands = 2 : i64, tpu.core_type = #tpu.core_type<sc_vector_subcore>, window_params = [{transform_indices = #map}, {transform_indices = #map}]} {
    %mul3A = arith.constant 2 : i32
    %mul3A_0 = arith.muli %arg1, %mul3A : i32
    %add3A = arith.addi %mul3A_0, %arg0 : i32
    %mul3A_1 = arith.constant 3200 : i32
    %mul3A_2 = arith.muli %add3A, %mul3A_1 : i32
    "tpu.region"() ({
      %run_scoped3A = tpu.sem_alloc : memref<!tpu.dma_semaphore, #tpu.memory_space<semaphore_mem>>
      %dma_start3A = tpu.memref_slice %arg2[%mul3A_2] : memref<204800xf32, #tpu.memory_space<hbm>> -> memref<3200xf32, #tpu.memory_space<hbm>>
      %dma_start3A_7 = tpu.memref_slice %arg2[%mul3A_2] : memref<204800xf32, #tpu.memory_space<hbm>> -> memref<3200xf32, #tpu.memory_space<hbm>>
      tpu.enqueue_dma source(%dma_start3A_7 : memref<3200xf32, #tpu.memory_space<hbm>>) target(%arg4 : memref<3200xf32, #tpu.memory_space<vmem>>) target_semaphore(%run_scoped3A : memref<!tpu.dma_semaphore, #tpu.memory_space<semaphore_mem>>)
      %dma_wait3A = tpu.memref_slice %arg2[%mul3A_2] : memref<204800xf32, #tpu.memory_space<hbm>> -> memref<3200xf32, #tpu.memory_space<hbm>>
      %dma_wait3A_8 = tpu.memref_slice %arg2[%mul3A_2] : memref<204800xf32, #tpu.memory_space<hbm>> -> memref<3200xf32, #tpu.memory_space<hbm>>
      tpu.wait_dma2 semaphore(%run_scoped3A : memref<!tpu.dma_semaphore, #tpu.memory_space<semaphore_mem>>) src(%dma_wait3A_8 : memref<3200xf32, #tpu.memory_space<hbm>>) dst(%arg4 : memref<3200xf32, #tpu.memory_space<vmem>>)
      tpu.yield
    }) : () -> ()
    %add3A_3 = arith.constant 102400 : i32
    %add3A_4 = arith.addi %add3A_3, %mul3A_2 : i32
    "tpu.region"() ({
      %run_scoped3A = tpu.sem_alloc : memref<!tpu.dma_semaphore, #tpu.memory_space<semaphore_mem>>
      %dma_start3A = tpu.memref_slice %arg2[%add3A_4] : memref<204800xf32, #tpu.memory_space<hbm>> -> memref<3200xf32, #tpu.memory_space<hbm>>
      %dma_start3A_7 = tpu.memref_slice %arg2[%add3A_4] : memref<204800xf32, #tpu.memory_space<hbm>> -> memref<3200xf32, #tpu.memory_space<hbm>>
      tpu.enqueue_dma source(%dma_start3A_7 : memref<3200xf32, #tpu.memory_space<hbm>>) target(%arg5 : memref<3200xf32, #tpu.memory_space<vmem>>) target_semaphore(%run_scoped3A : memref<!tpu.dma_semaphore, #tpu.memory_space<semaphore_mem>>)
      %dma_wait3A = tpu.memref_slice %arg2[%add3A_4] : memref<204800xf32, #tpu.memory_space<hbm>> -> memref<3200xf32, #tpu.memory_space<hbm>>
      %dma_wait3A_8 = tpu.memref_slice %arg2[%add3A_4] : memref<204800xf32, #tpu.memory_space<hbm>> -> memref<3200xf32, #tpu.memory_space<hbm>>
      tpu.wait_dma2 semaphore(%run_scoped3A : memref<!tpu.dma_semaphore, #tpu.memory_space<semaphore_mem>>) src(%dma_wait3A_8 : memref<3200xf32, #tpu.memory_space<hbm>>) dst(%arg5 : memref<3200xf32, #tpu.memory_space<vmem>>)
      tpu.yield
    }) : () -> ()
    %parallel_loop3A = arith.constant 0 : i32
    %parallel_loop3A_5 = arith.constant 200 : i32
    %parallel_loop3A_6 = arith.constant 1 : i32
    scf.for %parallel_loop3A_7 = %parallel_loop3A to %parallel_loop3A_5 step %parallel_loop3A_6  : i32 {
      %parallel_loop3A_8 = arith.constant 16 : i32
      %parallel_loop3A_9 = arith.muli %parallel_loop3A_7, %parallel_loop3A_8 : i32
      %parallel_loop3A_10 = arith.index_cast %parallel_loop3A_9 : i32 to index
      %parallel_loop3A_11 = tpu.vector_load %arg4[%parallel_loop3A_10] {strides = array<i32>} : memref<3200xf32, #tpu.memory_space<vmem>>, vector<16xf32>,
      %parallel_loop3A_12 = arith.constant 16 : i32
      %parallel_loop3A_13 = arith.muli %parallel_loop3A_7, %parallel_loop3A_12 : i32
      %parallel_loop3A_14 = arith.index_cast %parallel_loop3A_13 : i32 to index
      %parallel_loop3A_15 = tpu.vector_load %arg5[%parallel_loop3A_14] {strides = array<i32>} : memref<3200xf32, #tpu.memory_space<vmem>>, vector<16xf32>,
      %parallel_loop3A_16 = arith.addf %parallel_loop3A_11, %parallel_loop3A_15 : vector<16xf32>
      %parallel_loop3A_17 = arith.constant 16 : i32
      %parallel_loop3A_18 = arith.muli %parallel_loop3A_7, %parallel_loop3A_17 : i32
      %parallel_loop3A_19 = arith.index_cast %parallel_loop3A_18 : i32 to index
      %parallel_loop3A_20 = tpu.vector_load %arg4[%parallel_loop3A_19] {strides = array<i32>} : memref<3200xf32, #tpu.memory_space<vmem>>, vector<16xf32>,
      tpu.vector_store %arg4[%parallel_loop3A_19], %parallel_loop3A_16 {strides = array<i32>} : memref<3200xf32, #tpu.memory_space<vmem>>, vector<16xf32>,
    } {sc.loop_unroll_factor = 8 : i64, sc.parallel_access}
    "tpu.region"() ({
      %run_scoped3A = tpu.sem_alloc : memref<!tpu.dma_semaphore, #tpu.memory_space<semaphore_mem>>
      %dma_start3A = tpu.memref_slice %arg3[%mul3A_2] : memref<102400xf32, #tpu.memory_space<hbm>> -> memref<3200xf32, #tpu.memory_space<hbm>>
      %dma_start3A_7 = tpu.memref_slice %arg3[%mul3A_2] : memref<102400xf32, #tpu.memory_space<hbm>> -> memref<3200xf32, #tpu.memory_space<hbm>>
      tpu.enqueue_dma source(%arg4 : memref<3200xf32, #tpu.memory_space<vmem>>) target(%dma_start3A_7 : memref<3200xf32, #tpu.memory_space<hbm>>) target_semaphore(%run_scoped3A : memref<!tpu.dma_semaphore, #tpu.memory_space<semaphore_mem>>)
      %dma_wait3A = tpu.memref_slice %arg3[%mul3A_2] : memref<102400xf32, #tpu.memory_space<hbm>> -> memref<3200xf32, #tpu.memory_space<hbm>>
      %dma_wait3A_8 = tpu.memref_slice %arg3[%mul3A_2] : memref<102400xf32, #tpu.memory_space<hbm>> -> memref<3200xf32, #tpu.memory_space<hbm>>
      tpu.wait_dma2 semaphore(%run_scoped3A : memref<!tpu.dma_semaphore, #tpu.memory_space<semaphore_mem>>) src(%arg4 : memref<3200xf32, #tpu.memory_space<vmem>>) dst(%dma_wait3A_8 : memref<3200xf32, #tpu.memory_space<hbm>>)
      tpu.yield
    }) : () -> ()
    return
  }
}

#map = affine_map<(d0, d1) -> (0)>
module attributes {stable_mosaic.version = 14 : i64} {
  func.func @segsum_partials(%arg0: i32, %arg1: i32, %arg2: memref<6400000xi32, #tpu.memory_space<hbm>>, %arg3: memref<6400000xf32, #tpu.memory_space<hbm>>, %arg4: memref<204800xf32, #tpu.memory_space<hbm>>, %arg5: memref<4016xi32, #tpu.memory_space<vmem>>, %arg6: memref<4016xi32, #tpu.memory_space<vmem>>, %arg7: memref<4000xf32, #tpu.memory_space<vmem>>, %arg8: memref<4000xf32, #tpu.memory_space<vmem>>, %arg9: memref<102400xf32, #tpu.memory_space<vmem>>, %arg10: memref<1x128xi32, #tpu.memory_space<vmem>>, %arg11: memref<102400xf32, #tpu.memory_space<vmem_shared>>, %arg12: memref<!tpu.dma_semaphore, #tpu.memory_space<semaphore_mem>>, %arg13: memref<!tpu.dma_semaphore, #tpu.memory_space<semaphore_mem>>, %arg14: memref<!tpu.dma_semaphore, #tpu.memory_space<semaphore_mem>>, %arg15: memref<!tpu.dma_semaphore, #tpu.memory_space<semaphore_mem>>) attributes {dimension_semantics = [#tpu.dimension_semantics<core_parallel>, #tpu.dimension_semantics<subcore_parallel>], iteration_bounds = array<i64: 2, 16>, scalar_prefetch = 0 : i64, scratch_operands = 11 : i64, tpu.core_type = #tpu.core_type<sc_vector_subcore>, window_params = [{transform_indices = #map}, {transform_indices = #map}, {transform_indices = #map}]} {
    %mul3A = arith.constant 2 : i32
    %mul3A_0 = arith.muli %arg1, %mul3A : i32
    %add3A = arith.addi %mul3A_0, %arg0 : i32
    %mul3A_1 = arith.constant 200000 : i32
    %mul3A_2 = arith.muli %add3A, %mul3A_1 : i32
    %broadcast_in_dim3A = arith.constant 0.000000e+00 : f32
    %broadcast_in_dim3A_3 = vector.broadcast %broadcast_in_dim3A : f32 to vector<16xf32>
    %dma_start3A = arith.constant 0 : i32
    %dma_start3A_4 = tpu.memref_slice %arg5[%dma_start3A] : memref<4016xi32, #tpu.memory_space<vmem>> -> memref<4000xi32, #tpu.memory_space<vmem>>
    %dma_start3A_5 = tpu.memref_slice %arg2[%mul3A_2] : memref<6400000xi32, #tpu.memory_space<hbm>> -> memref<4000xi32, #tpu.memory_space<hbm>>
    %dma_start3A_6 = arith.constant 0 : i32
    %dma_start3A_7 = tpu.memref_slice %arg5[%dma_start3A_6] : memref<4016xi32, #tpu.memory_space<vmem>> -> memref<4000xi32, #tpu.memory_space<vmem>>
    %dma_start3A_8 = tpu.memref_slice %arg2[%mul3A_2] : memref<6400000xi32, #tpu.memory_space<hbm>> -> memref<4000xi32, #tpu.memory_space<hbm>>
    tpu.enqueue_dma source(%dma_start3A_8 : memref<4000xi32, #tpu.memory_space<hbm>>) target(%dma_start3A_7 : memref<4000xi32, #tpu.memory_space<vmem>>) target_semaphore(%arg12 : memref<!tpu.dma_semaphore, #tpu.memory_space<semaphore_mem>>)
    %dma_start3A_9 = tpu.memref_slice %arg3[%mul3A_2] : memref<6400000xf32, #tpu.memory_space<hbm>> -> memref<4000xf32, #tpu.memory_space<hbm>>
    %dma_start3A_10 = tpu.memref_slice %arg3[%mul3A_2] : memref<6400000xf32, #tpu.memory_space<hbm>> -> memref<4000xf32, #tpu.memory_space<hbm>>
    tpu.enqueue_dma source(%dma_start3A_10 : memref<4000xf32, #tpu.memory_space<hbm>>) target(%arg7 : memref<4000xf32, #tpu.memory_space<vmem>>) target_semaphore(%arg14 : memref<!tpu.dma_semaphore, #tpu.memory_space<semaphore_mem>>)
    %parallel_loop3A = arith.constant 0 : i32
    %parallel_loop3A_11 = arith.constant 6400 : i32
    %parallel_loop3A_12 = arith.constant 1 : i32
    scf.for %parallel_loop3A_90 = %parallel_loop3A to %parallel_loop3A_11 step %parallel_loop3A_12  : i32 {
      %parallel_loop3A_91 = arith.constant 16 : i32
      %parallel_loop3A_92 = arith.muli %parallel_loop3A_90, %parallel_loop3A_91 : i32
      %parallel_loop3A_93 = arith.index_cast %parallel_loop3A_92 : i32 to index
      %parallel_loop3A_94 = tpu.vector_load %arg9[%parallel_loop3A_93] {strides = array<i32>} : memref<102400xf32, #tpu.memory_space<vmem>>, vector<16xf32>,
      tpu.vector_store %arg9[%parallel_loop3A_93], %broadcast_in_dim3A_3 {strides = array<i32>} : memref<102400xf32, #tpu.memory_space<vmem>>, vector<16xf32>,
    } {sc.loop_unroll_factor = 8 : i64, sc.parallel_access}
    %mul3A_13 = arith.constant 6400 : i32
    %mul3A_14 = arith.muli %arg1, %mul3A_13 : i32
    "tpu.region"() ({
      %run_scoped3A_90 = tpu.sem_alloc : memref<!tpu.dma_semaphore, #tpu.memory_space<semaphore_mem>>
      %dma_start3A_91 = arith.constant 0 : i32
      %dma_start3A_92 = tpu.memref_slice %arg9[%dma_start3A_91] : memref<102400xf32, #tpu.memory_space<vmem>> -> memref<6400xf32, #tpu.memory_space<vmem>>
      %dma_start3A_93 = tpu.memref_slice %arg11[%mul3A_14] : memref<102400xf32, #tpu.memory_space<vmem_shared>> -> memref<6400xf32, #tpu.memory_space<vmem_shared>>
      %dma_start3A_94 = tpu.memref_slice %arg11[%mul3A_14] : memref<102400xf32, #tpu.memory_space<vmem_shared>> -> memref<6400xf32, #tpu.memory_space<vmem_shared>>
      %dma_start3A_95 = arith.constant 0 : i32
      %dma_start3A_96 = tpu.memref_slice %arg9[%dma_start3A_95] : memref<102400xf32, #tpu.memory_space<vmem>> -> memref<6400xf32, #tpu.memory_space<vmem>>
      tpu.enqueue_dma source(%dma_start3A_96 : memref<6400xf32, #tpu.memory_space<vmem>>) target(%dma_start3A_94 : memref<6400xf32, #tpu.memory_space<vmem_shared>>) target_semaphore(%run_scoped3A_90 : memref<!tpu.dma_semaphore, #tpu.memory_space<semaphore_mem>>)
      %dma_wait3A = arith.constant 0 : i32
      %dma_wait3A_97 = tpu.memref_slice %arg9[%dma_wait3A] : memref<102400xf32, #tpu.memory_space<vmem>> -> memref<6400xf32, #tpu.memory_space<vmem>>
      %dma_wait3A_98 = tpu.memref_slice %arg11[%mul3A_14] : memref<102400xf32, #tpu.memory_space<vmem_shared>> -> memref<6400xf32, #tpu.memory_space<vmem_shared>>
      %dma_wait3A_99 = tpu.memref_slice %arg11[%mul3A_14] : memref<102400xf32, #tpu.memory_space<vmem_shared>> -> memref<6400xf32, #tpu.memory_space<vmem_shared>>
      %dma_wait3A_100 = arith.constant 0 : i32
      %dma_wait3A_101 = tpu.memref_slice %arg9[%dma_wait3A_100] : memref<102400xf32, #tpu.memory_space<vmem>> -> memref<6400xf32, #tpu.memory_space<vmem>>
      tpu.wait_dma2 semaphore(%run_scoped3A_90 : memref<!tpu.dma_semaphore, #tpu.memory_space<semaphore_mem>>) src(%dma_wait3A_101 : memref<6400xf32, #tpu.memory_space<vmem>>) dst(%dma_wait3A_99 : memref<6400xf32, #tpu.memory_space<vmem_shared>>)
      tpu.yield
    }) : () -> ()
    %barrier3A = arith.constant 0 : index
    tpu.barrier barrier_id(%barrier3A)
    %run_scoped3A = arith.constant 0 : i32
    "tpu.region"() ({
      %run_scoped3A_90 = tpu.sem_alloc : memref<!tpu.dma_semaphore, #tpu.memory_space<semaphore_mem>>
      %dma_start3A_91 = arith.constant 0 : i32
      %dma_start3A_92 = tpu.memref_slice %arg10[%run_scoped3A, %dma_start3A_91] : memref<1x128xi32, #tpu.memory_space<vmem>> -> memref<1x128xi32, #tpu.memory_space<vmem>>
      %dma_start3A_93 = tpu.memref_squeeze %dma_start3A_92 : memref<1x128xi32, #tpu.memory_space<vmem>> -> memref<128xi32, #tpu.memory_space<vmem>>
      %dma_start3A_94 = tpu.memref_slice %arg2[%mul3A_2] : memref<6400000xi32, #tpu.memory_space<hbm>> -> memref<128xi32, #tpu.memory_space<hbm>>
      %dma_start3A_95 = arith.constant 0 : i32
      %dma_start3A_96 = tpu.memref_slice %arg10[%run_scoped3A, %dma_start3A_95] : memref<1x128xi32, #tpu.memory_space<vmem>> -> memref<1x128xi32, #tpu.memory_space<vmem>>
      %dma_start3A_97 = tpu.memref_squeeze %dma_start3A_96 : memref<1x128xi32, #tpu.memory_space<vmem>> -> memref<128xi32, #tpu.memory_space<vmem>>
      %dma_start3A_98 = tpu.memref_slice %arg2[%mul3A_2] : memref<6400000xi32, #tpu.memory_space<hbm>> -> memref<128xi32, #tpu.memory_space<hbm>>
      tpu.enqueue_dma source(%dma_start3A_98 : memref<128xi32, #tpu.memory_space<hbm>>) target(%dma_start3A_97 : memref<128xi32, #tpu.memory_space<vmem>>) target_semaphore(%run_scoped3A_90 : memref<!tpu.dma_semaphore, #tpu.memory_space<semaphore_mem>>)
      %dma_wait3A = arith.constant 0 : i32
      %dma_wait3A_99 = tpu.memref_slice %arg10[%run_scoped3A, %dma_wait3A] : memref<1x128xi32, #tpu.memory_space<vmem>> -> memref<1x128xi32, #tpu.memory_space<vmem>>
      %dma_wait3A_100 = tpu.memref_squeeze %dma_wait3A_99 : memref<1x128xi32, #tpu.memory_space<vmem>> -> memref<128xi32, #tpu.memory_space<vmem>>
      %dma_wait3A_101 = tpu.memref_slice %arg2[%mul3A_2] : memref<6400000xi32, #tpu.memory_space<hbm>> -> memref<128xi32, #tpu.memory_space<hbm>>
      %dma_wait3A_102 = arith.constant 0 : i32
      %dma_wait3A_103 = tpu.memref_slice %arg10[%run_scoped3A, %dma_wait3A_102] : memref<1x128xi32, #tpu.memory_space<vmem>> -> memref<1x128xi32, #tpu.memory_space<vmem>>
      %dma_wait3A_104 = tpu.memref_squeeze %dma_wait3A_103 : memref<1x128xi32, #tpu.memory_space<vmem>> -> memref<128xi32, #tpu.memory_space<vmem>>
      %dma_wait3A_105 = tpu.memref_slice %arg2[%mul3A_2] : memref<6400000xi32, #tpu.memory_space<hbm>> -> memref<128xi32, #tpu.memory_space<hbm>>
      tpu.wait_dma2 semaphore(%run_scoped3A_90 : memref<!tpu.dma_semaphore, #tpu.memory_space<semaphore_mem>>) src(%dma_wait3A_105 : memref<128xi32, #tpu.memory_space<hbm>>) dst(%dma_wait3A_104 : memref<128xi32, #tpu.memory_space<vmem>>)
      tpu.yield
    }) : () -> ()
    %get3A = arith.constant 0 : i32
    %get3A_15 = arith.index_cast %get3A : i32 to index
    %get3A_16 = arith.constant 0 : index
    %get3A_17 = tpu.vector_load %arg10[%get3A_15, %get3A_16] {strides = array<i32>} : memref<1x128xi32, #tpu.memory_space<vmem>>, vector<16xi32>,
    %slice3A = vector.extract_strided_slice %get3A_17 {offsets = [0], sizes = [1], strides = [1]} : vector<16xi32> to vector<1xi32>
    %squeeze3A = vector.extract %slice3A[0] : i32 from vector<1xi32>
    %iota3A = tpu.iota {dimensions = array<i32: 0>} : vector<16xi32>
    %eq3A = arith.constant 15 : i32
    %eq3A_18 = vector.broadcast %eq3A : i32 to vector<16xi32>
    %eq3A_19 = arith.cmpi eq, %iota3A, %eq3A_18 : vector<16xi32>
    %lt3A = arith.constant 15 : i32
    %lt3A_20 = vector.broadcast %lt3A : i32 to vector<16xi32>
    %lt3A_21 = arith.cmpi slt, %iota3A, %lt3A_20 : vector<16xi32>
    %scan3A = arith.constant 0 : i32
    %scan3A_22 = arith.constant 0 : i32
    %scan3A_23 = arith.constant 25 : i32
    %scan3A_24 = arith.addi %scan3A_22, %scan3A_23 : i32
    %scan3A_25 = arith.constant 1 : i32
    scf.for %scan3A_90 = %scan3A_22 to %scan3A_24 step %scan3A_25  : i32 {
      %mul3A_91 = arith.constant 2 : i32
      %mul3A_92 = arith.muli %mul3A_91, %scan3A_90 : i32
      %add3A_93 = arith.constant 0 : i32
      %add3A_94 = arith.addi %mul3A_92, %add3A_93 : i32
      %mul3A_95 = arith.constant 4000 : i32
      %mul3A_96 = arith.muli %add3A_94, %mul3A_95 : i32
      %add3A_97 = arith.addi %mul3A_2, %mul3A_96 : i32
      %dma_wait3A = arith.constant 0 : i32
      %dma_wait3A_98 = tpu.memref_slice %arg5[%dma_wait3A] : memref<4016xi32, #tpu.memory_space<vmem>> -> memref<4000xi32, #tpu.memory_space<vmem>>
      %dma_wait3A_99 = tpu.memref_slice %arg2[%add3A_97] : memref<6400000xi32, #tpu.memory_space<hbm>> -> memref<4000xi32, #tpu.memory_space<hbm>>
      %dma_wait3A_100 = arith.constant 0 : i32
      %dma_wait3A_101 = tpu.memref_slice %arg5[%dma_wait3A_100] : memref<4016xi32, #tpu.memory_space<vmem>> -> memref<4000xi32, #tpu.memory_space<vmem>>
      %dma_wait3A_102 = tpu.memref_slice %arg2[%add3A_97] : memref<6400000xi32, #tpu.memory_space<hbm>> -> memref<4000xi32, #tpu.memory_space<hbm>>
      tpu.wait_dma2 semaphore(%arg12 : memref<!tpu.dma_semaphore, #tpu.memory_space<semaphore_mem>>) src(%dma_wait3A_102 : memref<4000xi32, #tpu.memory_space<hbm>>) dst(%dma_wait3A_101 : memref<4000xi32, #tpu.memory_space<vmem>>)
      %dma_wait3A_103 = tpu.memref_slice %arg3[%add3A_97] : memref<6400000xf32, #tpu.memory_space<hbm>> -> memref<4000xf32, #tpu.memory_space<hbm>>
      %dma_wait3A_104 = tpu.memref_slice %arg3[%add3A_97] : memref<6400000xf32, #tpu.memory_space<hbm>> -> memref<4000xf32, #tpu.memory_space<hbm>>
      tpu.wait_dma2 semaphore(%arg14 : memref<!tpu.dma_semaphore, #tpu.memory_space<semaphore_mem>>) src(%dma_wait3A_104 : memref<4000xf32, #tpu.memory_space<hbm>>) dst(%arg7 : memref<4000xf32, #tpu.memory_space<vmem>>)
      %add3A_105 = arith.constant 1 : i32
      %add3A_106 = arith.addi %add3A_94, %add3A_105 : i32
      %lt3A_107 = arith.constant 50 : i32
      %lt3A_108 = arith.cmpi slt, %add3A_106, %lt3A_107 : i32
      %convert_element_type3A = arith.extui %lt3A_108 : i1 to i32
      %cond3A = arith.constant 0 : i32
      %cond3A_109 = arith.cmpi ne, %convert_element_type3A, %cond3A : i32
      scf.if %cond3A_109 {
        %add3A_138 = arith.constant 1 : i32
        %add3A_139 = arith.addi %add3A_94, %add3A_138 : i32
        %mul3A_140 = arith.constant 4000 : i32
        %mul3A_141 = arith.muli %add3A_139, %mul3A_140 : i32
        %add3A_142 = arith.addi %mul3A_2, %mul3A_141 : i32
        %dma_start3A_143 = arith.constant 0 : i32
        %dma_start3A_144 = tpu.memref_slice %arg6[%dma_start3A_143] : memref<4016xi32, #tpu.memory_space<vmem>> -> memref<4000xi32, #tpu.memory_space<vmem>>
        %dma_start3A_145 = tpu.memref_slice %arg2[%add3A_142] : memref<6400000xi32, #tpu.memory_space<hbm>> -> memref<4000xi32, #tpu.memory_space<hbm>>
        %dma_start3A_146 = arith.constant 0 : i32
        %dma_start3A_147 = tpu.memref_slice %arg6[%dma_start3A_146] : memref<4016xi32, #tpu.memory_space<vmem>> -> memref<4000xi32, #tpu.memory_space<vmem>>
        %dma_start3A_148 = tpu.memref_slice %arg2[%add3A_142] : memref<6400000xi32, #tpu.memory_space<hbm>> -> memref<4000xi32, #tpu.memory_space<hbm>>
        tpu.enqueue_dma source(%dma_start3A_148 : memref<4000xi32, #tpu.memory_space<hbm>>) target(%dma_start3A_147 : memref<4000xi32, #tpu.memory_space<vmem>>) target_semaphore(%arg13 : memref<!tpu.dma_semaphore, #tpu.memory_space<semaphore_mem>>)
        %dma_start3A_149 = tpu.memref_slice %arg3[%add3A_142] : memref<6400000xf32, #tpu.memory_space<hbm>> -> memref<4000xf32, #tpu.memory_space<hbm>>
        %dma_start3A_150 = tpu.memref_slice %arg3[%add3A_142] : memref<6400000xf32, #tpu.memory_space<hbm>> -> memref<4000xf32, #tpu.memory_space<hbm>>
        tpu.enqueue_dma source(%dma_start3A_150 : memref<4000xf32, #tpu.memory_space<hbm>>) target(%arg8 : memref<4000xf32, #tpu.memory_space<vmem>>) target_semaphore(%arg15 : memref<!tpu.dma_semaphore, #tpu.memory_space<semaphore_mem>>)
      } else {
      }
      %parallel_loop3A_110 = arith.constant 0 : i32
      %parallel_loop3A_111 = arith.constant 250 : i32
      %parallel_loop3A_112 = arith.constant 1 : i32
      scf.for %parallel_loop3A_138 = %parallel_loop3A_110 to %parallel_loop3A_111 step %parallel_loop3A_112  : i32 {
        %parallel_loop3A_139 = arith.constant 16 : i32
        %parallel_loop3A_140 = arith.muli %parallel_loop3A_138, %parallel_loop3A_139 : i32
        %parallel_loop3A_141 = arith.index_cast %parallel_loop3A_140 : i32 to index
        %parallel_loop3A_142 = tpu.vector_load %arg5[%parallel_loop3A_141] {strides = array<i32>} : memref<4016xi32, #tpu.memory_space<vmem>>, vector<16xi32>,
        %parallel_loop3A_143 = arith.constant 1 : i32
        %parallel_loop3A_144 = arith.addi %parallel_loop3A_140, %parallel_loop3A_143 : i32
        %parallel_loop3A_145 = arith.index_cast %parallel_loop3A_144 : i32 to index
        %parallel_loop3A_146 = tpu.vector_load %arg5[%parallel_loop3A_145] {strides = array<i32>} : memref<4016xi32, #tpu.memory_space<vmem>>, vector<16xi32>,
        %parallel_loop3A_147 = arith.index_cast %parallel_loop3A_140 : i32 to index
        %parallel_loop3A_148 = tpu.vector_load %arg7[%parallel_loop3A_147] {strides = array<i32>} : memref<4000xf32, #tpu.memory_space<vmem>>, vector<16xf32>,
        %parallel_loop3A_149 = arith.constant true
        %parallel_loop3A_150 = vector.broadcast %parallel_loop3A_149 : i1 to vector<16xi1>
        %parallel_loop3A_151 = tpu.scan <sum>, %parallel_loop3A_148 masked %parallel_loop3A_150 : vector<16xf32>, vector<16xi1> -> vector<16xf32>
        %parallel_loop3A_152 = arith.cmpi ne, %parallel_loop3A_142, %parallel_loop3A_146 : vector<16xi32>
        %parallel_loop3A_153 = arith.ori %parallel_loop3A_152, %eq3A_19 : vector<16xi1>
        tpu.vector_store_idx %arg9[%parallel_loop3A_142], %parallel_loop3A_151 masked %parallel_loop3A_153 {add = true} : memref<102400xf32, #tpu.memory_space<vmem>>[vector<16xi32>], vector<16xf32>, vector<16xi1>
        %parallel_loop3A_154 = arith.constant 0.000000e+00 : f32
        %parallel_loop3A_155 = vector.broadcast %parallel_loop3A_154 : f32 to vector<16xf32>
        %parallel_loop3A_156 = arith.subf %parallel_loop3A_155, %parallel_loop3A_151 : vector<16xf32>
        %parallel_loop3A_157 = arith.andi %parallel_loop3A_152, %lt3A_21 : vector<16xi1>
        tpu.vector_store_idx %arg9[%parallel_loop3A_146], %parallel_loop3A_156 masked %parallel_loop3A_157 {add = true} : memref<102400xf32, #tpu.memory_space<vmem>>[vector<16xi32>], vector<16xf32>, vector<16xi1>
      } {sc.loop_unroll_factor = 10 : i64, sc.parallel_access}
      %mul3A_113 = arith.constant 2 : i32
      %mul3A_114 = arith.muli %mul3A_113, %scan3A_90 : i32
      %add3A_115 = arith.constant 1 : i32
      %add3A_116 = arith.addi %mul3A_114, %add3A_115 : i32
      %mul3A_117 = arith.constant 4000 : i32
      %mul3A_118 = arith.muli %add3A_116, %mul3A_117 : i32
      %add3A_119 = arith.addi %mul3A_2, %mul3A_118 : i32
      %dma_wait3A_120 = arith.constant 0 : i32
      %dma_wait3A_121 = tpu.memref_slice %arg6[%dma_wait3A_120] : memref<4016xi32, #tpu.memory_space<vmem>> -> memref<4000xi32, #tpu.memory_space<vmem>>
      %dma_wait3A_122 = tpu.memref_slice %arg2[%add3A_119] : memref<6400000xi32, #tpu.memory_space<hbm>> -> memref<4000xi32, #tpu.memory_space<hbm>>
      %dma_wait3A_123 = arith.constant 0 : i32
      %dma_wait3A_124 = tpu.memref_slice %arg6[%dma_wait3A_123] : memref<4016xi32, #tpu.memory_space<vmem>> -> memref<4000xi32, #tpu.memory_space<vmem>>
      %dma_wait3A_125 = tpu.memref_slice %arg2[%add3A_119] : memref<6400000xi32, #tpu.memory_space<hbm>> -> memref<4000xi32, #tpu.memory_space<hbm>>
      tpu.wait_dma2 semaphore(%arg13 : memref<!tpu.dma_semaphore, #tpu.memory_space<semaphore_mem>>) src(%dma_wait3A_125 : memref<4000xi32, #tpu.memory_space<hbm>>) dst(%dma_wait3A_124 : memref<4000xi32, #tpu.memory_space<vmem>>)
      %dma_wait3A_126 = tpu.memref_slice %arg3[%add3A_119] : memref<6400000xf32, #tpu.memory_space<hbm>> -> memref<4000xf32, #tpu.memory_space<hbm>>
      %dma_wait3A_127 = tpu.memref_slice %arg3[%add3A_119] : memref<6400000xf32, #tpu.memory_space<hbm>> -> memref<4000xf32, #tpu.memory_space<hbm>>
      tpu.wait_dma2 semaphore(%arg15 : memref<!tpu.dma_semaphore, #tpu.memory_space<semaphore_mem>>) src(%dma_wait3A_127 : memref<4000xf32, #tpu.memory_space<hbm>>) dst(%arg8 : memref<4000xf32, #tpu.memory_space<vmem>>)
      %add3A_128 = arith.constant 1 : i32
      %add3A_129 = arith.addi %add3A_116, %add3A_128 : i32
      %lt3A_130 = arith.constant 50 : i32
      %lt3A_131 = arith.cmpi slt, %add3A_129, %lt3A_130 : i32
      %convert_element_type3A_132 = arith.extui %lt3A_131 : i1 to i32
      %cond3A_133 = arith.constant 0 : i32
      %cond3A_134 = arith.cmpi ne, %convert_element_type3A_132, %cond3A_133 : i32
      scf.if %cond3A_134 {
        %add3A_138 = arith.constant 1 : i32
        %add3A_139 = arith.addi %add3A_116, %add3A_138 : i32
        %mul3A_140 = arith.constant 4000 : i32
        %mul3A_141 = arith.muli %add3A_139, %mul3A_140 : i32
        %add3A_142 = arith.addi %mul3A_2, %mul3A_141 : i32
        %dma_start3A_143 = arith.constant 0 : i32
        %dma_start3A_144 = tpu.memref_slice %arg5[%dma_start3A_143] : memref<4016xi32, #tpu.memory_space<vmem>> -> memref<4000xi32, #tpu.memory_space<vmem>>
        %dma_start3A_145 = tpu.memref_slice %arg2[%add3A_142] : memref<6400000xi32, #tpu.memory_space<hbm>> -> memref<4000xi32, #tpu.memory_space<hbm>>
        %dma_start3A_146 = arith.constant 0 : i32
        %dma_start3A_147 = tpu.memref_slice %arg5[%dma_start3A_146] : memref<4016xi32, #tpu.memory_space<vmem>> -> memref<4000xi32, #tpu.memory_space<vmem>>
        %dma_start3A_148 = tpu.memref_slice %arg2[%add3A_142] : memref<6400000xi32, #tpu.memory_space<hbm>> -> memref<4000xi32, #tpu.memory_space<hbm>>
        tpu.enqueue_dma source(%dma_start3A_148 : memref<4000xi32, #tpu.memory_space<hbm>>) target(%dma_start3A_147 : memref<4000xi32, #tpu.memory_space<vmem>>) target_semaphore(%arg12 : memref<!tpu.dma_semaphore, #tpu.memory_space<semaphore_mem>>)
        %dma_start3A_149 = tpu.memref_slice %arg3[%add3A_142] : memref<6400000xf32, #tpu.memory_space<hbm>> -> memref<4000xf32, #tpu.memory_space<hbm>>
        %dma_start3A_150 = tpu.memref_slice %arg3[%add3A_142] : memref<6400000xf32, #tpu.memory_space<hbm>> -> memref<4000xf32, #tpu.memory_space<hbm>>
        tpu.enqueue_dma source(%dma_start3A_150 : memref<4000xf32, #tpu.memory_space<hbm>>) target(%arg7 : memref<4000xf32, #tpu.memory_space<vmem>>) target_semaphore(%arg14 : memref<!tpu.dma_semaphore, #tpu.memory_space<semaphore_mem>>)
      } else {
      }
      %parallel_loop3A_135 = arith.constant 0 : i32
      %parallel_loop3A_136 = arith.constant 250 : i32
      %parallel_loop3A_137 = arith.constant 1 : i32
      scf.for %parallel_loop3A_138 = %parallel_loop3A_135 to %parallel_loop3A_136 step %parallel_loop3A_137  : i32 {
        %parallel_loop3A_139 = arith.constant 16 : i32
        %parallel_loop3A_140 = arith.muli %parallel_loop3A_138, %parallel_loop3A_139 : i32
        %parallel_loop3A_141 = arith.index_cast %parallel_loop3A_140 : i32 to index
        %parallel_loop3A_142 = tpu.vector_load %arg6[%parallel_loop3A_141] {strides = array<i32>} : memref<4016xi32, #tpu.memory_space<vmem>>, vector<16xi32>,
        %parallel_loop3A_143 = arith.constant 1 : i32
        %parallel_loop3A_144 = arith.addi %parallel_loop3A_140, %parallel_loop3A_143 : i32
        %parallel_loop3A_145 = arith.index_cast %parallel_loop3A_144 : i32 to index
        %parallel_loop3A_146 = tpu.vector_load %arg6[%parallel_loop3A_145] {strides = array<i32>} : memref<4016xi32, #tpu.memory_space<vmem>>, vector<16xi32>,
        %parallel_loop3A_147 = arith.index_cast %parallel_loop3A_140 : i32 to index
        %parallel_loop3A_148 = tpu.vector_load %arg8[%parallel_loop3A_147] {strides = array<i32>} : memref<4000xf32, #tpu.memory_space<vmem>>, vector<16xf32>,
        %parallel_loop3A_149 = arith.constant true
        %parallel_loop3A_150 = vector.broadcast %parallel_loop3A_149 : i1 to vector<16xi1>
        %parallel_loop3A_151 = tpu.scan <sum>, %parallel_loop3A_148 masked %parallel_loop3A_150 : vector<16xf32>, vector<16xi1> -> vector<16xf32>
        %parallel_loop3A_152 = arith.cmpi ne, %parallel_loop3A_142, %parallel_loop3A_146 : vector<16xi32>
        %parallel_loop3A_153 = arith.ori %parallel_loop3A_152, %eq3A_19 : vector<16xi1>
        tpu.vector_store_idx %arg9[%parallel_loop3A_142], %parallel_loop3A_151 masked %parallel_loop3A_153 {add = true} : memref<102400xf32, #tpu.memory_space<vmem>>[vector<16xi32>], vector<16xf32>, vector<16xi1>
        %parallel_loop3A_154 = arith.constant 0.000000e+00 : f32
        %parallel_loop3A_155 = vector.broadcast %parallel_loop3A_154 : f32 to vector<16xf32>
        %parallel_loop3A_156 = arith.subf %parallel_loop3A_155, %parallel_loop3A_151 : vector<16xf32>
        %parallel_loop3A_157 = arith.andi %parallel_loop3A_152, %lt3A_21 : vector<16xi1>
        tpu.vector_store_idx %arg9[%parallel_loop3A_146], %parallel_loop3A_156 masked %parallel_loop3A_157 {add = true} : memref<102400xf32, #tpu.memory_space<vmem>>[vector<16xi32>], vector<16xf32>, vector<16xi1>
      } {sc.loop_unroll_factor = 10 : i64, sc.parallel_access}
    }
    %scan3A_26 = arith.constant 25 : i32
    %get3A_27 = arith.constant 3984 : index
    %get3A_28 = tpu.vector_load %arg6[%get3A_27] {strides = array<i32>} : memref<4016xi32, #tpu.memory_space<vmem>>, vector<16xi32>,
    %slice3A_29 = vector.extract_strided_slice %get3A_28 {offsets = [15], sizes = [1], strides = [1]} : vector<16xi32> to vector<1xi32>
    %squeeze3A_30 = vector.extract %slice3A_29[0] : i32 from vector<1xi32>
    %iota3A_31 = tpu.iota {dimensions = array<i32: 0>} : vector<16xi32>
    %jit3A = arith.constant 128 : i32
    %div3A = arith.divsi %squeeze3A, %jit3A : i32
    %sign3A = arith.constant 0 : i32
    %sign3A_32 = arith.cmpi sgt, %squeeze3A, %sign3A : i32
    %sign3A_33 = arith.extui %sign3A_32 : i1 to i32
    %sign3A_34 = arith.constant 0 : i32
    %sign3A_35 = arith.cmpi slt, %squeeze3A, %sign3A_34 : i32
    %sign3A_36 = arith.extui %sign3A_35 : i1 to i32
    %sign3A_37 = arith.subi %sign3A_33, %sign3A_36 : i32
    %sign3A_38 = arith.constant 0 : i32
    %sign3A_39 = arith.cmpi sgt, %jit3A, %sign3A_38 : i32
    %sign3A_40 = arith.extui %sign3A_39 : i1 to i32
    %sign3A_41 = arith.constant 0 : i32
    %sign3A_42 = arith.cmpi slt, %jit3A, %sign3A_41 : i32
    %sign3A_43 = arith.extui %sign3A_42 : i1 to i32
    %sign3A_44 = arith.subi %sign3A_40, %sign3A_43 : i32
    %ne3A = arith.cmpi ne, %sign3A_37, %sign3A_44 : i32
    %rem3A = arith.remsi %squeeze3A, %jit3A : i32
    %ne3A_45 = arith.constant 0 : i32
    %ne3A_46 = arith.cmpi ne, %rem3A, %ne3A_45 : i32
    %and3A = arith.andi %ne3A, %ne3A_46 : i1
    %sub3A = arith.constant 1 : i32
    %sub3A_47 = arith.subi %div3A, %sub3A : i32
    %select_n3A = arith.select %and3A, %sub3A_47, %div3A : i32
    %jit3A_48 = arith.constant 128 : i32
    %div3A_49 = arith.divsi %squeeze3A_30, %jit3A_48 : i32
    %sign3A_50 = arith.constant 0 : i32
    %sign3A_51 = arith.cmpi sgt, %squeeze3A_30, %sign3A_50 : i32
    %sign3A_52 = arith.extui %sign3A_51 : i1 to i32
    %sign3A_53 = arith.constant 0 : i32
    %sign3A_54 = arith.cmpi slt, %squeeze3A_30, %sign3A_53 : i32
    %sign3A_55 = arith.extui %sign3A_54 : i1 to i32
    %sign3A_56 = arith.subi %sign3A_52, %sign3A_55 : i32
    %sign3A_57 = arith.constant 0 : i32
    %sign3A_58 = arith.cmpi sgt, %jit3A_48, %sign3A_57 : i32
    %sign3A_59 = arith.extui %sign3A_58 : i1 to i32
    %sign3A_60 = arith.constant 0 : i32
    %sign3A_61 = arith.cmpi slt, %jit3A_48, %sign3A_60 : i32
    %sign3A_62 = arith.extui %sign3A_61 : i1 to i32
    %sign3A_63 = arith.subi %sign3A_59, %sign3A_62 : i32
    %ne3A_64 = arith.cmpi ne, %sign3A_56, %sign3A_63 : i32
    %rem3A_65 = arith.remsi %squeeze3A_30, %jit3A_48 : i32
    %ne3A_66 = arith.constant 0 : i32
    %ne3A_67 = arith.cmpi ne, %rem3A_65, %ne3A_66 : i32
    %and3A_68 = arith.andi %ne3A_64, %ne3A_67 : i1
    %sub3A_69 = arith.constant 1 : i32
    %sub3A_70 = arith.subi %div3A_49, %sub3A_69 : i32
    %select_n3A_71 = arith.select %and3A_68, %sub3A_70, %div3A_49 : i32
    %add3A_72 = arith.constant 1 : i32
    %add3A_73 = arith.addi %select_n3A_71, %add3A_72 : i32
    %while3A = arith.constant 0 : i32
    %while3A_74 = arith.subi %add3A_73, %select_n3A : i32
    %while3A_75 = arith.addi %select_n3A, %while3A_74 : i32
    %while3A_76 = arith.constant 1 : i32
    %while3A_77 = arith.divsi %while3A_74, %while3A_76 : i32
    %while3A_78 = arith.muli %while3A_77, %while3A_76 : i32
    %while3A_79 = arith.addi %select_n3A, %while3A_78 : i32
    %while3A_80 = arith.constant 1 : i32
    scf.for %while3A_90 = %select_n3A to %while3A_79 step %while3A_80  : i32 {
      %mul3A_91 = arith.constant 128 : i32
      %mul3A_92 = arith.muli %while3A_90, %mul3A_91 : i32
      %add3A_93 = arith.constant 0 : i32
      %add3A_94 = arith.addi %mul3A_92, %add3A_93 : i32
      %add3A_95 = vector.broadcast %add3A_94 : i32 to vector<16xi32>
      %add3A_96 = arith.addi %add3A_95, %iota3A_31 : vector<16xi32>
      %swap3A = arith.constant 0 : i32
      %swap3A_97 = arith.index_cast %swap3A : i32 to index
      %swap3A_98 = arith.constant 0 : index
      %swap3A_99 = tpu.vector_load %arg10[%swap3A_97, %swap3A_98] {strides = array<i32>} : memref<1x128xi32, #tpu.memory_space<vmem>>, vector<16xi32>,
      tpu.vector_store %arg10[%swap3A_97, %swap3A_98], %add3A_96 {strides = array<i32>} : memref<1x128xi32, #tpu.memory_space<vmem>>, vector<16xi32>,
      %mul3A_100 = arith.constant 128 : i32
      %mul3A_101 = arith.muli %while3A_90, %mul3A_100 : i32
      %add3A_102 = arith.constant 16 : i32
      %add3A_103 = arith.addi %mul3A_101, %add3A_102 : i32
      %add3A_104 = vector.broadcast %add3A_103 : i32 to vector<16xi32>
      %add3A_105 = arith.addi %add3A_104, %iota3A_31 : vector<16xi32>
      %swap3A_106 = arith.constant 0 : i32
      %swap3A_107 = arith.index_cast %swap3A_106 : i32 to index
      %swap3A_108 = arith.constant 16 : index
      %swap3A_109 = tpu.vector_load %arg10[%swap3A_107, %swap3A_108] {strides = array<i32>} : memref<1x128xi32, #tpu.memory_space<vmem>>, vector<16xi32>,
      tpu.vector_store %arg10[%swap3A_107, %swap3A_108], %add3A_105 {strides = array<i32>} : memref<1x128xi32, #tpu.memory_space<vmem>>, vector<16xi32>,
      %mul3A_110 = arith.constant 128 : i32
      %mul3A_111 = arith.muli %while3A_90, %mul3A_110 : i32
      %add3A_112 = arith.constant 32 : i32
      %add3A_113 = arith.addi %mul3A_111, %add3A_112 : i32
      %add3A_114 = vector.broadcast %add3A_113 : i32 to vector<16xi32>
      %add3A_115 = arith.addi %add3A_114, %iota3A_31 : vector<16xi32>
      %swap3A_116 = arith.constant 0 : i32
      %swap3A_117 = arith.index_cast %swap3A_116 : i32 to index
      %swap3A_118 = arith.constant 32 : index
      %swap3A_119 = tpu.vector_load %arg10[%swap3A_117, %swap3A_118] {strides = array<i32>} : memref<1x128xi32, #tpu.memory_space<vmem>>, vector<16xi32>,
      tpu.vector_store %arg10[%swap3A_117, %swap3A_118], %add3A_115 {strides = array<i32>} : memref<1x128xi32, #tpu.memory_space<vmem>>, vector<16xi32>,
      %mul3A_120 = arith.constant 128 : i32
      %mul3A_121 = arith.muli %while3A_90, %mul3A_120 : i32
      %add3A_122 = arith.constant 48 : i32
      %add3A_123 = arith.addi %mul3A_121, %add3A_122 : i32
      %add3A_124 = vector.broadcast %add3A_123 : i32 to vector<16xi32>
      %add3A_125 = arith.addi %add3A_124, %iota3A_31 : vector<16xi32>
      %swap3A_126 = arith.constant 0 : i32
      %swap3A_127 = arith.index_cast %swap3A_126 : i32 to index
      %swap3A_128 = arith.constant 48 : index
      %swap3A_129 = tpu.vector_load %arg10[%swap3A_127, %swap3A_128] {strides = array<i32>} : memref<1x128xi32, #tpu.memory_space<vmem>>, vector<16xi32>,
      tpu.vector_store %arg10[%swap3A_127, %swap3A_128], %add3A_125 {strides = array<i32>} : memref<1x128xi32, #tpu.memory_space<vmem>>, vector<16xi32>,
      %mul3A_130 = arith.constant 128 : i32
      %mul3A_131 = arith.muli %while3A_90, %mul3A_130 : i32
      %add3A_132 = arith.constant 64 : i32
      %add3A_133 = arith.addi %mul3A_131, %add3A_132 : i32
      %add3A_134 = vector.broadcast %add3A_133 : i32 to vector<16xi32>
      %add3A_135 = arith.addi %add3A_134, %iota3A_31 : vector<16xi32>
      %swap3A_136 = arith.constant 0 : i32
      %swap3A_137 = arith.index_cast %swap3A_136 : i32 to index
      %swap3A_138 = arith.constant 64 : index
      %swap3A_139 = tpu.vector_load %arg10[%swap3A_137, %swap3A_138] {strides = array<i32>} : memref<1x128xi32, #tpu.memory_space<vmem>>, vector<16xi32>,
      tpu.vector_store %arg10[%swap3A_137, %swap3A_138], %add3A_135 {strides = array<i32>} : memref<1x128xi32, #tpu.memory_space<vmem>>, vector<16xi32>,
      %mul3A_140 = arith.constant 128 : i32
      %mul3A_141 = arith.muli %while3A_90, %mul3A_140 : i32
      %add3A_142 = arith.constant 80 : i32
      %add3A_143 = arith.addi %mul3A_141, %add3A_142 : i32
      %add3A_144 = vector.broadcast %add3A_143 : i32 to vector<16xi32>
      %add3A_145 = arith.addi %add3A_144, %iota3A_31 : vector<16xi32>
      %swap3A_146 = arith.constant 0 : i32
      %swap3A_147 = arith.index_cast %swap3A_146 : i32 to index
      %swap3A_148 = arith.constant 80 : index
      %swap3A_149 = tpu.vector_load %arg10[%swap3A_147, %swap3A_148] {strides = array<i32>} : memref<1x128xi32, #tpu.memory_space<vmem>>, vector<16xi32>,
      tpu.vector_store %arg10[%swap3A_147, %swap3A_148], %add3A_145 {strides = array<i32>} : memref<1x128xi32, #tpu.memory_space<vmem>>, vector<16xi32>,
      %mul3A_150 = arith.constant 128 : i32
      %mul3A_151 = arith.muli %while3A_90, %mul3A_150 : i32
      %add3A_152 = arith.constant 96 : i32
      %add3A_153 = arith.addi %mul3A_151, %add3A_152 : i32
      %add3A_154 = vector.broadcast %add3A_153 : i32 to vector<16xi32>
      %add3A_155 = arith.addi %add3A_154, %iota3A_31 : vector<16xi32>
      %swap3A_156 = arith.constant 0 : i32
      %swap3A_157 = arith.index_cast %swap3A_156 : i32 to index
      %swap3A_158 = arith.constant 96 : index
      %swap3A_159 = tpu.vector_load %arg10[%swap3A_157, %swap3A_158] {strides = array<i32>} : memref<1x128xi32, #tpu.memory_space<vmem>>, vector<16xi32>,
      tpu.vector_store %arg10[%swap3A_157, %swap3A_158], %add3A_155 {strides = array<i32>} : memref<1x128xi32, #tpu.memory_space<vmem>>, vector<16xi32>,
      %mul3A_160 = arith.constant 128 : i32
      %mul3A_161 = arith.muli %while3A_90, %mul3A_160 : i32
      %add3A_162 = arith.constant 112 : i32
      %add3A_163 = arith.addi %mul3A_161, %add3A_162 : i32
      %add3A_164 = vector.broadcast %add3A_163 : i32 to vector<16xi32>
      %add3A_165 = arith.addi %add3A_164, %iota3A_31 : vector<16xi32>
      %swap3A_166 = arith.constant 0 : i32
      %swap3A_167 = arith.index_cast %swap3A_166 : i32 to index
      %swap3A_168 = arith.constant 112 : index
      %swap3A_169 = tpu.vector_load %arg10[%swap3A_167, %swap3A_168] {strides = array<i32>} : memref<1x128xi32, #tpu.memory_space<vmem>>, vector<16xi32>,
      tpu.vector_store %arg10[%swap3A_167, %swap3A_168], %add3A_165 {strides = array<i32>} : memref<1x128xi32, #tpu.memory_space<vmem>>, vector<16xi32>,
      %mul3A_170 = arith.constant 128 : i32
      %mul3A_171 = arith.muli %while3A_90, %mul3A_170 : i32
      %run_scoped3A_172 = arith.constant 0 : i32
      "tpu.region"() ({
        %run_scoped3A_173 = tpu.sem_alloc : memref<!tpu.dma_semaphore, #tpu.memory_space<semaphore_mem>>
        %dma_start3A_174 = tpu.memref_slice %arg9[%mul3A_171] : memref<102400xf32, #tpu.memory_space<vmem>> -> memref<128xf32, #tpu.memory_space<vmem>>
        %dma_start3A_175 = arith.constant 0 : i32
        %dma_start3A_176 = tpu.memref_slice %arg10[%run_scoped3A_172, %dma_start3A_175] : memref<1x128xi32, #tpu.memory_space<vmem>> -> memref<1x128xi32, #tpu.memory_space<vmem>>
        %dma_start3A_177 = tpu.memref_squeeze %dma_start3A_176 : memref<1x128xi32, #tpu.memory_space<vmem>> -> memref<128xi32, #tpu.memory_space<vmem>>
        %dma_start3A_178 = arith.constant 0 : i32
        %dma_start3A_179 = tpu.memref_slice %arg11[%dma_start3A_178] : memref<102400xf32, #tpu.memory_space<vmem_shared>> -> memref<102400xf32, #tpu.memory_space<vmem_shared>>
        tpu.enqueue_indirect_dma source(%dma_start3A_174 : memref<128xf32, #tpu.memory_space<vmem>>) target(%dma_start3A_179 : memref<102400xf32, #tpu.memory_space<vmem_shared>>) offsets(%dma_start3A_177 : memref<128xi32, #tpu.memory_space<vmem>>) semaphore(%run_scoped3A_173 : memref<!tpu.dma_semaphore, #tpu.memory_space<semaphore_mem>>) {add = true}
        %dma_wait3A = tpu.memref_slice %arg9[%mul3A_171] : memref<102400xf32, #tpu.memory_space<vmem>> -> memref<128xf32, #tpu.memory_space<vmem>>
        %dma_wait3A_180 = arith.constant 0 : i32
        %dma_wait3A_181 = tpu.memref_slice %arg10[%run_scoped3A_172, %dma_wait3A_180] : memref<1x128xi32, #tpu.memory_space<vmem>> -> memref<1x128xi32, #tpu.memory_space<vmem>>
        %dma_wait3A_182 = tpu.memref_squeeze %dma_wait3A_181 : memref<1x128xi32, #tpu.memory_space<vmem>> -> memref<128xi32, #tpu.memory_space<vmem>>
        %dma_wait3A_183 = arith.constant 0 : i32
        %dma_wait3A_184 = tpu.memref_slice %arg11[%dma_wait3A_183] : memref<102400xf32, #tpu.memory_space<vmem_shared>> -> memref<102400xf32, #tpu.memory_space<vmem_shared>>
        tpu.wait_indirect_dma semaphore(%run_scoped3A_173 : memref<!tpu.dma_semaphore, #tpu.memory_space<semaphore_mem>>) src(%dma_wait3A : memref<128xf32, #tpu.memory_space<vmem>>) dst(%dma_wait3A_184 : memref<102400xf32, #tpu.memory_space<vmem_shared>>)
        tpu.yield
      }) : () -> ()
    }
    %while3A_81 = arith.constant 1 : i32
    scf.for %while3A_90 = %while3A_79 to %while3A_75 step %while3A_81  : i32 {
      %mul3A_91 = arith.constant 128 : i32
      %mul3A_92 = arith.muli %while3A_90, %mul3A_91 : i32
      %add3A_93 = arith.constant 0 : i32
      %add3A_94 = arith.addi %mul3A_92, %add3A_93 : i32
      %add3A_95 = vector.broadcast %add3A_94 : i32 to vector<16xi32>
      %add3A_96 = arith.addi %add3A_95, %iota3A_31 : vector<16xi32>
      %swap3A = arith.constant 0 : i32
      %swap3A_97 = arith.index_cast %swap3A : i32 to index
      %swap3A_98 = arith.constant 0 : index
      %swap3A_99 = tpu.vector_load %arg10[%swap3A_97, %swap3A_98] {strides = array<i32>} : memref<1x128xi32, #tpu.memory_space<vmem>>, vector<16xi32>,
      tpu.vector_store %arg10[%swap3A_97, %swap3A_98], %add3A_96 {strides = array<i32>} : memref<1x128xi32, #tpu.memory_space<vmem>>, vector<16xi32>,
      %mul3A_100 = arith.constant 128 : i32
      %mul3A_101 = arith.muli %while3A_90, %mul3A_100 : i32
      %add3A_102 = arith.constant 16 : i32
      %add3A_103 = arith.addi %mul3A_101, %add3A_102 : i32
      %add3A_104 = vector.broadcast %add3A_103 : i32 to vector<16xi32>
      %add3A_105 = arith.addi %add3A_104, %iota3A_31 : vector<16xi32>
      %swap3A_106 = arith.constant 0 : i32
      %swap3A_107 = arith.index_cast %swap3A_106 : i32 to index
      %swap3A_108 = arith.constant 16 : index
      %swap3A_109 = tpu.vector_load %arg10[%swap3A_107, %swap3A_108] {strides = array<i32>} : memref<1x128xi32, #tpu.memory_space<vmem>>, vector<16xi32>,
      tpu.vector_store %arg10[%swap3A_107, %swap3A_108], %add3A_105 {strides = array<i32>} : memref<1x128xi32, #tpu.memory_space<vmem>>, vector<16xi32>,
      %mul3A_110 = arith.constant 128 : i32
      %mul3A_111 = arith.muli %while3A_90, %mul3A_110 : i32
      %add3A_112 = arith.constant 32 : i32
      %add3A_113 = arith.addi %mul3A_111, %add3A_112 : i32
      %add3A_114 = vector.broadcast %add3A_113 : i32 to vector<16xi32>
      %add3A_115 = arith.addi %add3A_114, %iota3A_31 : vector<16xi32>
      %swap3A_116 = arith.constant 0 : i32
      %swap3A_117 = arith.index_cast %swap3A_116 : i32 to index
      %swap3A_118 = arith.constant 32 : index
      %swap3A_119 = tpu.vector_load %arg10[%swap3A_117, %swap3A_118] {strides = array<i32>} : memref<1x128xi32, #tpu.memory_space<vmem>>, vector<16xi32>,
      tpu.vector_store %arg10[%swap3A_117, %swap3A_118], %add3A_115 {strides = array<i32>} : memref<1x128xi32, #tpu.memory_space<vmem>>, vector<16xi32>,
      %mul3A_120 = arith.constant 128 : i32
      %mul3A_121 = arith.muli %while3A_90, %mul3A_120 : i32
      %add3A_122 = arith.constant 48 : i32
      %add3A_123 = arith.addi %mul3A_121, %add3A_122 : i32
      %add3A_124 = vector.broadcast %add3A_123 : i32 to vector<16xi32>
      %add3A_125 = arith.addi %add3A_124, %iota3A_31 : vector<16xi32>
      %swap3A_126 = arith.constant 0 : i32
      %swap3A_127 = arith.index_cast %swap3A_126 : i32 to index
      %swap3A_128 = arith.constant 48 : index
      %swap3A_129 = tpu.vector_load %arg10[%swap3A_127, %swap3A_128] {strides = array<i32>} : memref<1x128xi32, #tpu.memory_space<vmem>>, vector<16xi32>,
      tpu.vector_store %arg10[%swap3A_127, %swap3A_128], %add3A_125 {strides = array<i32>} : memref<1x128xi32, #tpu.memory_space<vmem>>, vector<16xi32>,
      %mul3A_130 = arith.constant 128 : i32
      %mul3A_131 = arith.muli %while3A_90, %mul3A_130 : i32
      %add3A_132 = arith.constant 64 : i32
      %add3A_133 = arith.addi %mul3A_131, %add3A_132 : i32
      %add3A_134 = vector.broadcast %add3A_133 : i32 to vector<16xi32>
      %add3A_135 = arith.addi %add3A_134, %iota3A_31 : vector<16xi32>
      %swap3A_136 = arith.constant 0 : i32
      %swap3A_137 = arith.index_cast %swap3A_136 : i32 to index
      %swap3A_138 = arith.constant 64 : index
      %swap3A_139 = tpu.vector_load %arg10[%swap3A_137, %swap3A_138] {strides = array<i32>} : memref<1x128xi32, #tpu.memory_space<vmem>>, vector<16xi32>,
      tpu.vector_store %arg10[%swap3A_137, %swap3A_138], %add3A_135 {strides = array<i32>} : memref<1x128xi32, #tpu.memory_space<vmem>>, vector<16xi32>,
      %mul3A_140 = arith.constant 128 : i32
      %mul3A_141 = arith.muli %while3A_90, %mul3A_140 : i32
      %add3A_142 = arith.constant 80 : i32
      %add3A_143 = arith.addi %mul3A_141, %add3A_142 : i32
      %add3A_144 = vector.broadcast %add3A_143 : i32 to vector<16xi32>
      %add3A_145 = arith.addi %add3A_144, %iota3A_31 : vector<16xi32>
      %swap3A_146 = arith.constant 0 : i32
      %swap3A_147 = arith.index_cast %swap3A_146 : i32 to index
      %swap3A_148 = arith.constant 80 : index
      %swap3A_149 = tpu.vector_load %arg10[%swap3A_147, %swap3A_148] {strides = array<i32>} : memref<1x128xi32, #tpu.memory_space<vmem>>, vector<16xi32>,
      tpu.vector_store %arg10[%swap3A_147, %swap3A_148], %add3A_145 {strides = array<i32>} : memref<1x128xi32, #tpu.memory_space<vmem>>, vector<16xi32>,
      %mul3A_150 = arith.constant 128 : i32
      %mul3A_151 = arith.muli %while3A_90, %mul3A_150 : i32
      %add3A_152 = arith.constant 96 : i32
      %add3A_153 = arith.addi %mul3A_151, %add3A_152 : i32
      %add3A_154 = vector.broadcast %add3A_153 : i32 to vector<16xi32>
      %add3A_155 = arith.addi %add3A_154, %iota3A_31 : vector<16xi32>
      %swap3A_156 = arith.constant 0 : i32
      %swap3A_157 = arith.index_cast %swap3A_156 : i32 to index
      %swap3A_158 = arith.constant 96 : index
      %swap3A_159 = tpu.vector_load %arg10[%swap3A_157, %swap3A_158] {strides = array<i32>} : memref<1x128xi32, #tpu.memory_space<vmem>>, vector<16xi32>,
      tpu.vector_store %arg10[%swap3A_157, %swap3A_158], %add3A_155 {strides = array<i32>} : memref<1x128xi32, #tpu.memory_space<vmem>>, vector<16xi32>,
      %mul3A_160 = arith.constant 128 : i32
      %mul3A_161 = arith.muli %while3A_90, %mul3A_160 : i32
      %add3A_162 = arith.constant 112 : i32
      %add3A_163 = arith.addi %mul3A_161, %add3A_162 : i32
      %add3A_164 = vector.broadcast %add3A_163 : i32 to vector<16xi32>
      %add3A_165 = arith.addi %add3A_164, %iota3A_31 : vector<16xi32>
      %swap3A_166 = arith.constant 0 : i32
      %swap3A_167 = arith.index_cast %swap3A_166 : i32 to index
      %swap3A_168 = arith.constant 112 : index
      %swap3A_169 = tpu.vector_load %arg10[%swap3A_167, %swap3A_168] {strides = array<i32>} : memref<1x128xi32, #tpu.memory_space<vmem>>, vector<16xi32>,
      tpu.vector_store %arg10[%swap3A_167, %swap3A_168], %add3A_165 {strides = array<i32>} : memref<1x128xi32, #tpu.memory_space<vmem>>, vector<16xi32>,
      %mul3A_170 = arith.constant 128 : i32
      %mul3A_171 = arith.muli %while3A_90, %mul3A_170 : i32
      %run_scoped3A_172 = arith.constant 0 : i32
      "tpu.region"() ({
        %run_scoped3A_173 = tpu.sem_alloc : memref<!tpu.dma_semaphore, #tpu.memory_space<semaphore_mem>>
        %dma_start3A_174 = tpu.memref_slice %arg9[%mul3A_171] : memref<102400xf32, #tpu.memory_space<vmem>> -> memref<128xf32, #tpu.memory_space<vmem>>
        %dma_start3A_175 = arith.constant 0 : i32
        %dma_start3A_176 = tpu.memref_slice %arg10[%run_scoped3A_172, %dma_start3A_175] : memref<1x128xi32, #tpu.memory_space<vmem>> -> memref<1x128xi32, #tpu.memory_space<vmem>>
        %dma_start3A_177 = tpu.memref_squeeze %dma_start3A_176 : memref<1x128xi32, #tpu.memory_space<vmem>> -> memref<128xi32, #tpu.memory_space<vmem>>
        %dma_start3A_178 = arith.constant 0 : i32
        %dma_start3A_179 = tpu.memref_slice %arg11[%dma_start3A_178] : memref<102400xf32, #tpu.memory_space<vmem_shared>> -> memref<102400xf32, #tpu.memory_space<vmem_shared>>
        tpu.enqueue_indirect_dma source(%dma_start3A_174 : memref<128xf32, #tpu.memory_space<vmem>>) target(%dma_start3A_179 : memref<102400xf32, #tpu.memory_space<vmem_shared>>) offsets(%dma_start3A_177 : memref<128xi32, #tpu.memory_space<vmem>>) semaphore(%run_scoped3A_173 : memref<!tpu.dma_semaphore, #tpu.memory_space<semaphore_mem>>) {add = true}
        %dma_wait3A = tpu.memref_slice %arg9[%mul3A_171] : memref<102400xf32, #tpu.memory_space<vmem>> -> memref<128xf32, #tpu.memory_space<vmem>>
        %dma_wait3A_180 = arith.constant 0 : i32
        %dma_wait3A_181 = tpu.memref_slice %arg10[%run_scoped3A_172, %dma_wait3A_180] : memref<1x128xi32, #tpu.memory_space<vmem>> -> memref<1x128xi32, #tpu.memory_space<vmem>>
        %dma_wait3A_182 = tpu.memref_squeeze %dma_wait3A_181 : memref<1x128xi32, #tpu.memory_space<vmem>> -> memref<128xi32, #tpu.memory_space<vmem>>
        %dma_wait3A_183 = arith.constant 0 : i32
        %dma_wait3A_184 = tpu.memref_slice %arg11[%dma_wait3A_183] : memref<102400xf32, #tpu.memory_space<vmem_shared>> -> memref<102400xf32, #tpu.memory_space<vmem_shared>>
        tpu.wait_indirect_dma semaphore(%run_scoped3A_173 : memref<!tpu.dma_semaphore, #tpu.memory_space<semaphore_mem>>) src(%dma_wait3A : memref<128xf32, #tpu.memory_space<vmem>>) dst(%dma_wait3A_184 : memref<102400xf32, #tpu.memory_space<vmem_shared>>)
        tpu.yield
      }) : () -> ()
    }
    %barrier3A_82 = arith.constant 0 : index
    tpu.barrier barrier_id(%barrier3A_82)
    %mul3A_83 = arith.constant 6400 : i32
    %mul3A_84 = arith.muli %arg1, %mul3A_83 : i32
    %mul3A_85 = arith.constant 102400 : i32
    %mul3A_86 = arith.muli %arg0, %mul3A_85 : i32
    %mul3A_87 = arith.constant 6400 : i32
    %mul3A_88 = arith.muli %arg1, %mul3A_87 : i32
    %add3A_89 = arith.addi %mul3A_86, %mul3A_88 : i32
    "tpu.region"() ({
      %run_scoped3A_90 = tpu.sem_alloc : memref<!tpu.dma_semaphore, #tpu.memory_space<semaphore_mem>>
      %dma_start3A_91 = tpu.memref_slice %arg4[%add3A_89] : memref<204800xf32, #tpu.memory_space<hbm>> -> memref<6400xf32, #tpu.memory_space<hbm>>
      %dma_start3A_92 = tpu.memref_slice %arg11[%mul3A_84] : memref<102400xf32, #tpu.memory_space<vmem_shared>> -> memref<6400xf32, #tpu.memory_space<vmem_shared>>
      tpu.enqueue_dma source(%dma_start3A_92 : memref<6400xf32, #tpu.memory_space<vmem_shared>>) target(%dma_start3A_91 : memref<6400xf32, #tpu.memory_space<hbm>>) target_semaphore(%run_scoped3A_90 : memref<!tpu.dma_semaphore, #tpu.memory_space<semaphore_mem>>)
      %dma_wait3A = tpu.memref_slice %arg4[%add3A_89] : memref<204800xf32, #tpu.memory_space<hbm>> -> memref<6400xf32, #tpu.memory_space<hbm>>
      %dma_wait3A_93 = tpu.memref_slice %arg11[%mul3A_84] : memref<102400xf32, #tpu.memory_space<vmem_shared>> -> memref<6400xf32, #tpu.memory_space<vmem_shared>>
      tpu.wait_dma2 semaphore(%run_scoped3A_90 : memref<!tpu.dma_semaphore, #tpu.memory_space<semaphore_mem>>) src(%dma_wait3A_93 : memref<6400xf32, #tpu.memory_space<vmem_shared>>) dst(%dma_wait3A : memref<6400xf32, #tpu.memory_space<hbm>>)
      tpu.yield
    }) : () -> ()
    return
  }
}

</mosaic_0001>

<sc_bundles>
// kernel: kernel.4.cloned.1.call-start
scs
__scs_entry_jumppad:
0x0: {  	(pc) =	sbr.rel $0x88, $3  }
0x1: {  	(tag) =	ssettag $0x0;
	lr =	simm.s32 $0x1  }
0x2: {  	[smem:$0x3F9F] =	sst lr;
	_ =	strace $0xD0000000  }
0x3: {  	_ = 	snop  }
0x4: {  	_ = 	snop  }
0x5: {  	_ = 	snop  }
0x6: {  	_ = 	snop  }
0x7: {  	_ = 	snop  }
__scs_overlays_trampoline_lowered:
0x8: {  	[smem:$0x3FAE] =	sst s0  }
0x9: {  	[smem:$0x3FAF] =	sst s1  }
0xa: {  	[smem:$0x3FB0] =	sst s2  }
0xb: {  	[smem:$0x3FB1] =	sst s3  }
0xc: {  	[smem:$0x3FB2] =	sst s4  }
0xd: {  	[smem:$0x3FB3] =	sst s5  }
0xe: {  	[smem:$0x3FB4] =	sst s6  }
0xf: {  	[smem:$0x3FB5] =	sst s7  }
0x10: {  	[smem:$0x3FB6] =	sst s8  }
0x11: {  	[smem:$0x3FB7] =	sst s9;
	s0 =	simm.s32 @!p0 $0x0  }
0x12: {  	s1 =	sld [smem:$0x3F9D];
	s0 =	simm.s32 @p0 $0x1  }
0x13: {  	[smem:$0x3FB8] =	sst s0;
	s0 =	simm.s32 @!p1 $0x0  }
0x14: {  	s2 =	sld [smem:$0x3F9C];
	s0 =	simm.s32 @p1 $0x1  }
0x15: {  	[smem:$0x3FB9] =	sst s0;
	s0 =	simm.s32 @!p2 $0x0  }
0x16: {  	s3 =	sld [smem:$0x3FDB];
	s0 =	simm.s32 @p2 $0x1  }
0x17: {  	s4 =	simm.s32 $0x1BF5;
	[smem:$0x3FBB] =	sst s0  }
0x18: {  	s0 =	sld [smem:$0x3F9E];
	_ =	swait.ge [sflag:s4], $0x0  }
0x19: {  	s7 =	sld [smem:$0x3F9F]  }
0x1a: {  	s8 =	sadd.s32 $0xFFFFE003, lr  }
0x1b: {  	s9 =	sadd.s32 $0xFFFFFEF7, lr;
	s5 =	simm.s32 $0xFFFFFFFF;
	p2 =	slt.u32 s8, $0xFFFFF086  }
0x1c: {  	p1 =	slt.u32 s9, $0xF7A;
	s5 =	simm.s32 @!p2 $0x0  }
0x1d: {  	s5 =	simm.s32 @p1 $0x1;
	p0 =	seq.s32 s7, s2  }
0x1e: {  	s7 =	smul.u32 @!p0 $0xF7A, s2;
	p2 =	seq.s32 @!p0 s5, $0x0  }
0x1f: {  	s9 =	smul.u32 $0xF7A, s1;
	s8 =	simm.s32 @!p0 $0x1BF5;
	p2 =	por !p2, p0  }
0x20: {  	[sflag:s8] =	ssyncset.s32 @!p0 $0xFFFFF086;
	s6 =	sadd.s32 @!p0 s3, s7;
	s7 =	simm.s32 @!p0 $0x108  }
0x21: {  	s3 =	sadd.s32 s3, s9;
	s6 =	sadd.s32 @!p0 $0x88, s6;
	s7 =	simm.s32 @p2 $0x1082  }
0x22: {  	[simem:s7], [sflag:s8] =	dma.local @!p0 [hbm:s6], $0xF7A  }
0x23: {  	s9 =	sor.u32 $0xD0000000, s2;
	s6 =	simm.s32 $0x108;
	_ =	swait.ge @!p0 [sflag:s8], $0x0  }
0x24: {  	s3 =	sadd.s32 $0x88, s3;
	s6 =	simm.s32 @!p1 $0x1082;
	[sflag:s4] =	ssyncset.s32 $0xFFFFF086  }
0x25: {  	[simem:s6], [sflag:s4] =	dma.local [hbm:s3], $0xF7A  }
0x26: {  	[smem:$0x3F9F] =	sst s1;
	(tag) =	ssettag s2;
	_ =	strace s9  }
0x27: {  	s1 =	sld [smem:$0x3FAF]  }
0x28: {  	s2 =	sld [smem:$0x3FB0]  }
0x29: {  	s4 =	sld [smem:$0x3FB2]  }
0x2a: {  	p0 =	seq.s32 s5, $0x0;
	s5 =	sld [smem:$0x3FB3]  }
0x2b: {  	s6 =	sld [smem:$0x3FB4]  }
0x2c: {  	s7 =	sld [smem:$0x3FB5]  }
0x2d: {  	s3 =	simm.s32 $0x108;
	s8 =	sld [smem:$0x3FB6]  }
0x2e: {  	s3 =	simm.s32 @!p0 $0x1082;
	s9 =	sld [smem:$0x3FB7]  }
0x2f: {  	lr =	sadd.s32 s0, s3;
	s0 =	sld [smem:$0x3FAE]  }
0x30: {  	s3 =	sld [smem:$0x3FB1]  }
0x31: {  	[smem:$0x3FBA] =	sst s10  }
0x32: {  	s10 =	sld [smem:$0x3FB8];
	_ =	sdelay $0x3  }
0x33: {  	p0 =	seq.s32 s10, $0x1;
	s10 =	sld [smem:$0x3FBA];
	_ =	sdelay $0x3  }
0x34: {  	[smem:$0x3FBA] =	sst s10  }
0x35: {  	s10 =	sld [smem:$0x3FB9];
	_ =	sdelay $0x3  }
0x36: {  	p1 =	seq.s32 s10, $0x1;
	s10 =	sld [smem:$0x3FBA];
	_ =	sdelay $0x3  }
0x37: {  	[smem:$0x3FBA] =	sst s10  }
0x38: {  	s10 =	sld [smem:$0x3FBB]  }
0x39: {  	_ = 	snop;
	(pc) =	sbr.ind lr, $3  }
0x3a: {  	_ = 	snop  }
0x3b: {  	_ = 	snop  }
0x3c: {  	p2 =	seq.s32 s10, $0x1;
	s10 =	sld [smem:$0x3FBA]  }
0x3d: {  	_ =	shalt  }
0x3e: {  	_ =	shalt  }
0x3f: {  	_ =	shalt  }
0x40: {  	_ =	shalt  }
0x41: {  	_ =	shalt  }
0x42: {  	_ =	shalt  }
0x43: {  	_ =	shalt  }
0x44: {  	_ =	shalt  }
0x45: {  	_ =	shalt  }
0x46: {  	_ =	shalt  }
0x47: {  	_ =	shalt  }
0x48: {  	_ =	shalt  }
0x49: {  	_ =	shalt  }
0x4a: {  	_ =	shalt  }
0x4b: {  	_ =	shalt  }
0x4c: {  	_ =	shalt  }
0x4d: {  	_ =	shalt  }
0x4e: {  	_ =	shalt  }
0x4f: {  	_ =	shalt  }
0x50: {  	_ =	shalt  }
0x51: {  	_ =	shalt  }
0x52: {  	_ =	shalt  }
0x53: {  	_ =	shalt  }
0x54: {  	_ =	shalt  }
0x55: {  	_ =	shalt  }
0x56: {  	_ =	shalt  }
0x57: {  	_ =	shalt  }
0x58: {  	_ =	shalt  }
0x59: {  	_ =	shalt  }
0x5a: {  	_ =	shalt  }
0x5b: {  	_ =	shalt  }
0x5c: {  	_ =	shalt  }
0x5d: {  	_ =	shalt  }
0x5e: {  	_ =	shalt  }
0x5f: {  	_ =	shalt  }
0x60: {  	_ =	shalt  }
0x61: {  	_ =	shalt  }
0x62: {  	_ =	shalt  }
0x63: {  	_ =	shalt  }
0x64: {  	_ =	shalt  }
0x65: {  	_ =	shalt  }
0x66: {  	_ =	shalt  }
0x67: {  	_ =	shalt  }
0x68: {  	_ =	shalt  }
0x69: {  	_ =	shalt  }
0x6a: {  	_ =	shalt  }
0x6b: {  	_ =	shalt  }
0x6c: {  	_ =	shalt  }
0x6d: {  	_ =	shalt  }
0x6e: {  	_ =	shalt  }
0x6f: {  	_ =	shalt  }
0x70: {  	_ =	shalt  }
0x71: {  	_ =	shalt  }
0x72: {  	_ =	shalt  }
0x73: {  	_ =	shalt  }
0x74: {  	_ =	shalt  }
0x75: {  	_ =	shalt  }
0x76: {  	_ =	shalt  }
0x77: {  	_ =	shalt  }
0x78: {  	_ =	shalt  }
0x79: {  	_ =	shalt  }
0x7a: {  	_ =	shalt  }
0x7b: {  	_ =	shalt  }
0x7c: {  	_ =	shalt  }
0x7d: {  	_ =	shalt  }
0x7e: {  	_ =	shalt  }
0x7f: {  	_ =	shalt  }
0x80: {  	_ =	shalt  }
0x81: {  	_ =	shalt  }
0x82: {  	_ =	shalt  }
0x83: {  	_ =	shalt  }
0x84: {  	_ =	shalt  }
0x85: {  	_ =	shalt  }
0x86: {  	_ =	shalt  }
0x87: {  	_ =	shalt  }
.Lfunc_end0:
.L_simem_size_0:
called_computation_lowered:
.L_overlay_start_0:
0x88: {  	s2 =	sld [smem:$0x3FD9]  }
0x89: {  	s3 =	sld [smem:$0x3FFE];
	_ =	sdelay $0x1  }
0x8a: {  	s1 =	srdreg.scid  }
0x8b: {  	s0 =	sand.u32 $0x1, s1  }
0x8c: {  	s17 =	sshll.u32 s0, $0xA;
	s2 =	sadd.s32 s3, s2  }
0x8d: {  	s2 =	sadd.s32 s2, s17  }
0x8e: {  	[smem:$0x3FC6] =	sst s2  }
0x8f: {  	_ = 	snop  }
0x90: {  	s2 =	sld [smem:$0x3FC9]  }
0x91: {  	s18 =	sld [smem:$0x3FC8];
	(tm) =	ssettm $0x1  }
0x92: {  	s4 =	sld [smem:$0x3FFB];
	_ =	sdelay $0x3  }
0x93: {  	_ =	strace s4  }
0x94: {  	s4 =	sld [smem:$0x3FFC];
	_ =	sdelay $0x3  }
0x95: {  	_ =	strace s4  }
0x96: {  	s4 =	sld [smem:$0x3FFD];
	_ =	sdelay $0x3  }
0x97: {  	_ =	strace s4  }
0x98: {  	_ =	strace $0x8FFFFFFF  }
0x99: {  	s19 =	sld [smem:$0x3FDB];
	_ =	sdelay $0x1  }
0x9a: {  	s5 =	simm.s32 $_scs_section_size  }
0x9b: {  	s6 =	simm.s32 $_size__tile_overlayer_lowered;
	s7 =	simm.s32 $_tile_overlayer_lowered  }
0x9c: {  	s22 =	simm.s32 $0x1BFF;
	s21 =	sshll.u32 s7, $0x1;
	s4 =	sadd.s32 s5, s19  }
0x9d: {  	s8 =	simm.s32 $0x0;
	s20 =	sshll.u32 s6, $0x1;
	s6 =	sadd.s32 s21, s4  }
0x9e: {  	[timem:s8], [sflag:s22] =	dma.local [hbm:s6], s20  }
0x9f: {  	_ =	swait.ge [sflag:s22], s20  }
0xa0: {  	s5 =	ssub.s32 $0x0, s20;
	[sflag:s22] =	ssyncset.done $0x0  }
0xa1: {  	[sflag:s22] =	ssyncadd.s32 s5;
	_ =	sdelay $0x1  }
0xa2: {  	s23 =	simm.s32 $0x1B8B  }
0xa3: {  	_ =	swait.ge [sflag:s23], $0x1  }
0xa4: {  	[sflag:s23] =	ssyncset.done $0x0  }
0xa5: {  	s25 =	simm.s32 $0x1B8E;
	s24 =	sld [smem:$0x3FFE];
	[sflag:s23] =	ssyncadd.s32 $0xFFFFFFFF  }
0xa6: {  	s26 =	simm.s32 $execute0_lowered;
	[smem:$0x3FD2] =	sst s25  }
0xa7: {  	s6 =	sshll.u32 s26, $0x1;
	_ =	strace $0x80000046;
	[dreg:$0x1] =	wrdreg $0xFFFFFFFF  }
0xa8: {  	s28 =	simm.s32 $_size_execute0_lowered;
	s4 =	sadd.s32 s4, s6;
	[dreg:$0x0] =	wrdreg $0x0  }
0xa9: {  	s6 =	sshll.u32 s28, $0x1;
	[dreg:$0x2] =	wrdreg s4  }
0xaa: {  	[dreg:$0x3] =	wrdreg s6  }
0xab: {  	[dreg:$0x4] =	wrdreg $0xC0  }
0xac: {  	_ =	task [dreg:s8], $0x5FFFF  }
0xad: {  	[dreg:$0x1] =	wrdreg $0xFFFFFFFF  }
0xae: {  	[dreg:$0x0] =	wrdreg $0x60  }
0xaf: {  	[dreg:$0x2] =	wrdreg s2  }
0xb0: {  	[dreg:$0x3] =	wrdreg s18  }
0xb1: {  	[dreg:$0x4] =	wrdreg s24  }
0xb2: {  	[dreg:$0x5] =	wrdreg $0x1D0800  }
0xb3: {  	[dreg:$0x6] =	wrdreg $0x9  }
0xb4: {  	_ =	task.clear_ibuf [dreg:s8], $0x7FFFF;
	_ =	strace $0x90000046  }
0xb5: {  	s29 =	simm.s32 $0x9;
	_ =	strace $0x80000048  }
0xb6: {  	_ =	swait.ge [sflag:s29], $0x1  }
0xb7: {  	[sflag:s29] =	ssyncadd.s32 $0xFFFFFFFF  }
0xb8: {  	_ =	strace $0x90000048  }
0xb9: {  	_ =	sfence  }
0xba: {  	s30 =	sld [smem:$0x0];
	_ =	sdelay $0x2  }
0xbb: {  	s31 =	sshll.u32 s1, $0xD;
	s1 =	sshrl.u32 s1, $0x2  }
0xbc: {  	s3 =	sand.u32 $0x4000, s31;
	s1 =	sadd.s32 s1, s30  }
0xbd: {  	s0 =	sor.u32 s3, s0;
	s1 =	sshll.u32 s1, $0x11  }
0xbe: {  	s0 =	sor.u32 s1, s0  }
0xbf: {  	s0 =	sadd.s32 $0x8F2B, s0  }
0xc0: {  	[sflag:s0] =	ssyncadd.remote.s32 $0x1  }
0xc1: {  	_ =	sfence.sel $0xFFFF  }
0xc2: {  	[dreg:$0x0] =	wrdreg $0xFFFFFFFF;
	(pc) =	sbr.abs _section_cstart, $3  }
0xc3: {  	[dreg:$0x1] =	wrdreg $0xFFFFFFFF  }
0xc4: {  	_ =	task.clear_ibuf [dreg:s8], $0x2FFFF;
	_ =	strace $0x9FFFFFFF  }
0xc5: {  	(tm) =	ssettm $0x7FFFFFFF  }
tec
execute0_lowered:
.L_overlay_start_1:
0x0: {  	(tag) =	ssettag $0x1  }
0x1: {  	s1 =	rddreg [dreg:$0x0]  }
0x2: {  	s2 =	rddreg [dreg:$0x1]  }
0x3: {  	s0 =	rddreg [dreg:$0x2]  }
0x4: {  	s4 =	rddreg [dreg:$0x3];
	s5 =	srdreg.scid  }
0x5: {  	s3 =	stileid.u32;
	s14 =	simm.s32 $0x4000;
	s15 =	simm.s32 $0x5  }
0x6: {  	s16 =	simm.s32 $0x1D000;
	s17 =	simm.s32 $0x1;
	s18 =	simm.s32 $0x3  }
0x7: {  	s19 =	simm.s32 $0x1000;
	s20 =	simm.s32 $0x3000;
	s21 =	simm.s32 $0x2  }
0x8: {  	s22 =	simm.s32 $0x4;
	s23 =	simm.s32 $0x80;
	s24 =	simm.s32 $0x0  }
0x9: {  	s6 =	sand.u32 $0x1, s5;
	s8 =	smul.u32 $0x1900, s3;
	s7 =	sshll.u32 s3, $0x1  }
0xa: {  	s5 =	simm.s32 $0x0;
	s9 =	smul.u32 $0x19000, s6;
	s7 =	sor.u32 s6, s7  }
0xb: {  	[smem:$0x7FF] =	sst s5;
	s6 =	ssub.s32 $0x2, s6;
	s10 =	smul.u32 $0x30D40, s7  }
.Ltmp0:
0xc: {  	_ =	strace $0x80000047;
	s31 =	sshrl.u32 s6, $0x1;
	(pc) =	sbr.rel .LBB2_1-.Ltmp0, $4  }
0xd: {  	s30 =	sadd.s32 s8, s9;
	s12 =	ssub.s32 s6, s31;
	s8 =	sadd.s32 s8, s4  }
0xe: {  	s7 =	sshrl.u32 s30, $0x3;
	s11 =	sshrl.u32 s10, $0x3;
	s9 =	sadd.s32 $0xFA0, s10  }
0xf: {  	v0 =	vimm.f32 $0.0e+00;
	s10 =	sadd.s32 $0x1F40, s10;
	s12 =	smax.u32 s12, $0x1;
	s0 =	sadd.s32 s7, s0  }
0x10: {  	vm0 =	vcmask $0x3F3C;
	vm1 =	vmmov $0x7fff;
	v1 =	vlaneseq.u32;
	s6 =	sadd.s32 s1, s11;
	s7 =	sadd.s32 s2, s11;
	s11 =	sadd.s32 $0x800, s0  }
.LBB2_12:
0x11: {  	_ =	swait.ge [sflag:s15], $0x80  }
0x12: {  	[sflag:s15] =	ssyncset.done $0x0  }
0x13: {  	[sflag:s15] =	ssyncadd.s32 $0xFFFFFF80  }
.LBB2_13:
0x14: {  	s0 =	stileid.u32;
	s24 =	sadd.s32 $0x1, s24  }
0x15: {  	[bflag:$0x0] =	sbarrier.arrive $0xFFFF;
	s0 =	sshll.u32 s0, $0x6;
	p0 =	sne.s32 s24, s12  }
.Ltmp1:
0x16: {  	s3 =	sshrl.u32 s8, $0x3;
	s0 =	sor.u32 $0x1C05, s0;
	(pc) =	sbr.rel @!p0 .LBB2_14-.Ltmp1, $4  }
0x17: {  	[hbm:s11], [sflag:s0] =	dma.local [spmem:s3], $0x320  }
0x18: {  	_ =	swait.ge [sflag:s15], $0x320  }
0x19: {  	[sflag:s15] =	ssyncset.done $0x0  }
0x1a: {  	[sflag:s15] =	ssyncadd.s32 $0xFFFFFCE0  }
.LBB2_1:
0x1b: {  	[tilespmem:s5], [sflag:$0x1] =	stream.linear.gather [hbm4b:s6+s5], $0xFA0, $0x38;
	[tilespmem:$0x1E980] =	vst v63  }
0x1c: {  	s0 =	simm.s32 $0x2000  }
0x1d: {  	[tilespmem:s0], [sflag:$0x3] =	stream.linear.gather [hbm4b:s7+s5], $0xFA0, $0x38;
	[tilespmem:$0x1E980] =	vst v63  }
0x1e: {  	s0 =	simm.s32 $0x4040  }
0x1f: {  	[tilespmem:s0+$0xFFFFFFC0] =	vst v0  }
0x20: {  	[tilespmem:s0+$0x30] =	vst v0  }
0x21: {  	[tilespmem:s0+$0x20] =	vst v0  }
0x22: {  	[tilespmem:s0+$0x10] =	vst v0  }
0x23: {  	[tilespmem:s0+$0x0] =	vst v0  }
0x24: {  	[tilespmem:s0+$0xFFFFFFF0] =	vst v0  }
0x25: {  	s13 =	simm.s32 $0x0;
	[tilespmem:s0+$0xFFFFFFE0] =	vst v0  }
.LBB2_2:
0x26: {  	s13 =	sadd.s32 $0x8, s13;
	[tilespmem:s0+$0xFFFFFFD0] =	vst v0;
	s0 =	sadd.s32 $0x80, s0  }
0x27: {  	[tilespmem:s0+$0xFFFFFFC0] =	vst v0;
	p0 =	slt.u32 s13, $0x18F8  }
0x28: {  	[tilespmem:s0+$0x30] =	vst v0  }
.Ltmp2:
0x29: {  	[tilespmem:s0+$0x20] =	vst v0;
	(pc) =	sbr.rel @p0 .LBB2_2-.Ltmp2, $4  }
0x2a: {  	[tilespmem:s0+$0x10] =	vst v0  }
0x2b: {  	[tilespmem:s0+$0x0] =	vst v0  }
0x2c: {  	[tilespmem:s0+$0xFFFFFFF0] =	vst v0  }
0x2d: {  	[tilespmem:s0+$0xFFFFFFE0] =	vst v0  }
0x2e: {  	[tilespmem:s0+$0xFFFFFFD0] =	vst v0  }
0x2f: {  	[spmem:s8] =	stream.linear.scatter [tilespmem:s14], [sflag:$0x5], $0x1900, $0x38;
	[tilespmem:$0x1E980] =	vst v63  }
0x30: {  	_ =	swait.ge [sflag:s15], $0x1900  }
0x31: {  	[sflag:s15] =	ssyncset.done $0x0  }
0x32: {  	[sflag:s15] =	ssyncadd.s32 $0xFFFFE700  }
0x33: {  	s25 =	simm.s32 $0x0;
	[bflag:$0x0] =	sbarrier.arrive $0xFFFF  }
0x34: {  	[tilespmem:s16], [sflag:$0x5] =	stream.linear.gather [hbm4b:s6+s25], $0x80, $0x38;
	[tilespmem:$0x1E980] =	vst v63  }
0x35: {  	_ =	swait.ge [sflag:s15], $0x80  }
0x36: {  	[sflag:s15] =	ssyncset.done $0x0  }
0x37: {  	[sflag:s15] =	ssyncadd.s32 $0xFFFFFF80  }
0x38: {  	s26 =	simm.s32 $0x0;
	v2 =	vld [tilespmem:$0x1D000]  }
.LBB2_4:
0x39: {  	_ =	swait.ge [sflag:s17], $0xFA0  }
0x3a: {  	s28 =	smul.u32 $0x1F40, s26;
	[sflag:s17] =	ssyncset.done $0x0  }
0x3b: {  	[sflag:s17] =	ssyncadd.s32 $0xFFFFF060  }
0x3c: {  	s0 =	sadd.s32 s28, s9;
	_ =	swait.ge [sflag:s18], $0xFA0  }
0x3d: {  	s0 =	sshrl.u32 s0, $0x3;
	[sflag:s18] =	ssyncset.done $0x0  }
0x3e: {  	s13 =	sadd.s32 s1, s0;
	[sflag:s18] =	ssyncadd.s32 $0xFFFFF060  }
0x3f: {  	[tilespmem:s19], [sflag:$0x2] =	stream.linear.gather [hbm4b:s13+s25], $0xFA0, $0x38;
	[tilespmem:$0x1E980] =	vst v63  }
0x40: {  	s0 =	sadd.s32 s2, s0;
	s13 =	sand.u32 $0xFE0, s25  }
0x41: {  	[tilespmem:s20], [sflag:$0x4] =	stream.linear.gather [hbm4b:s0+s25], $0xFA0, $0x38;
	[tilespmem:$0x1E980] =	vst v63  }
0x42: {  	s29 =	simm.s32 $0x50;
	v10 =	vld [tilespmem:s13+$0x80]  }
0x43: {  	v13 =	vld [tilespmem:s29+$0x31]  }
0x44: {  	v5 =	vld [tilespmem:s13+$0x2080]  }
0x45: {  	v3 =	vld [tilespmem:s29+$0xFFFFFFB0]  }
0x46: {  	v4 =	vld [tilespmem:s29+$0xFFFFFFB1]  }
0x47: {  	v16 =	vld [tilespmem:s29+$0x21]  }
0x48: {  	v15 =	vld [tilespmem:s29+$0x41]  }
0x49: {  	v8 =	vld [tilespmem:s29+$0x40]  }
0x4a: {  	s30 =	simm.s32 $0x2050;
	v17 =	vld [tilespmem:s29+$0x20]  }
0x4b: {  	v6 =	vld [tilespmem:s30+$0x40]  }
0x4c: {  	v9 =	vld [tilespmem:s30+$0x20]  }
0x4d: {  	v18 =	vld [tilespmem:s29+$0x11]  }
0x4e: {  	v19 =	vld [tilespmem:s29+$0x10]  }
0x4f: {  	v20 =	vld [tilespmem:s30+$0x0]  }
0x50: {  	v21 =	vld [tilespmem:s30+$0xFFFFFFF0];
	(xrf2) =	vadd.scan.msk.f32 $0xffff, v5  }
0x51: {  	v5 =	vld [tilespmem:s30+$0x10];
	(xrf2) =	vadd.scan.msk.f32 $0xffff, v6  }
0x52: {  	v22 =	vld [tilespmem:s30+$0xFFFFFFE0]  }
0x53: {  	v23 =	vld [tilespmem:s30+$0xFFFFFFD0]  }
0x54: {  	v12 =	vld [tilespmem:s30+$0xFFFFFFC0];
	vm4 =	vne.s32 v10, v13  }
0x55: {  	v7 =	vld [tilespmem:s30+$0xFFFFFFB0];
	vm2 =	vne.s32 v8, v15;
	vm5 =	vmor vm4, vm0  }
0x56: {  	v14 =	vld [tilespmem:s29+$0xFFFFFFF0];
	vm3 =	vmor vm2, vm0;
	(xrf2) =	vadd.scan.msk.f32 $0xffff, v5  }
0x57: {  	v11 =	vld [tilespmem:s29+$0x0];
	(xrf2) =	vadd.scan.msk.f32 $0xffff, v9  }
0x58: {  	v6 =	vld [tilespmem:s29+$0x1]  }
0x59: {  	vm2 =	vmand vm2, vm1;
	v5 =	vld [tilespmem:s29+$0xFFFFFFE1]  }
0x5a: {  	v9 =	vld [tilespmem:s29+$0xFFFFFFF1];
	v24, _, _ =	vpop (xrf2)  }
0x5b: {  	vm6 =	vne.s32 v17, v16;
	vm4 =	vmand vm4, vm1;
	v25, _, _ =	vpop (xrf2);
	[tilespmem:v10+s14+$0x0] =	vst.idx.add.f32.msk vm5, v24  }
0x5c: {  	vm7 =	vmor vm6, vm0;
	(xrf2) =	vadd.scan.msk.f32 $0xffff, v21;
	[tilespmem:v8+s14+$0x0] =	vst.idx.add.f32.msk vm3, v25;
	vm3 =	vne.s32 v19, v18  }
0x5d: {  	v10 =	vld [tilespmem:s29+$0xFFFFFFD1];
	v62 =	vsub.f32 $0.0e+00, v25;
	vm8 =	vmor vm3, vm0  }
0x5e: {  	(xrf2) =	vadd.scan.msk.f32 $0xffff, v20;
	vm5 =	vmand vm6, vm1;
	v8 =	vld [tilespmem:s29+$0xFFFFFFE0]  }
0x5f: {  	v24 =	vsub.f32 $0.0e+00, v24;
	[tilespmem:v15+s14+$0x0] =	vst.idx.add.f32.msk vm2, v62  }
0x60: {  	vm6 =	vmand vm3, vm1;
	v15 =	vld [tilespmem:s29+$0xFFFFFFD0];
	v63, _, _ =	vpop (xrf2)  }
0x61: {  	(xrf2) =	vadd.scan.msk.f32 $0xffff, v22;
	[tilespmem:v13+s14+$0x0] =	vst.idx.add.f32.msk vm4, v24;
	vm4 =	vne.s32 v14, v9;
	v13, _, _ =	vpop (xrf2)  }
0x62: {  	[tilespmem:v17+s14+$0x0] =	vst.idx.add.f32.msk vm7, v13;
	v13 =	vsub.f32 $0.0e+00, v13;
	v17 =	vsub.f32 $0.0e+00, v63;
	vm7 =	vmor vm4, vm0  }
0x63: {  	vm9 =	vne.s32 v11, v6;
	[tilespmem:v19+s14+$0x0] =	vst.idx.add.f32.msk vm8, v63  }
0x64: {  	vm3 =	vmor vm9, vm0;
	vm2 =	vne.s32 v3, v4;
	(xrf2) =	vadd.scan.msk.f32 $0xffff, v23;
	[tilespmem:v16+s14+$0x0] =	vst.idx.add.f32.msk vm5, v13  }
0x65: {  	vm11 =	vne.s32 v8, v5;
	vm8 =	vmand vm4, vm1;
	vm10 =	vne.s32 v15, v10;
	v16 =	vld [tilespmem:s29+$0xFFFFFFC1]  }
0x66: {  	s31 =	simm.s32 $0x0;
	s0 =	simm.s32 $0xF0;
	s13 =	simm.s32 $0xA0;
	vm5 =	vmor vm11, vm0;
	vm4 =	vmand vm11, vm1;
	[tilespmem:v18+s14+$0x0] =	vst.idx.add.f32.msk vm6, v17;
	vm6 =	vmor vm10, vm0;
	v17, _, _ =	vpop (xrf2)  }
.LBB2_5:
0x67: {  	s3 =	sand.u32 $0xFE0, s13;
	s31 =	sadd.s32 $0xA, s31;
	v18 =	vld [tilespmem:s29+$0xFFFFFFC0];
	s30 =	sadd.s32 $0xA0, s30;
	(xrf2) =	vadd.scan.msk.f32 $0xffff, v12  }
0x68: {  	s29 =	smov.u32 s0;
	p0 =	slt.u32 s31, $0xF0;
	[tilespmem:v14+s14+$0x0] =	vst.idx.add.f32.msk vm7, v17;
	vm7 =	vmand vm9, vm1;
	v12, _, _ =	vpop (xrf2)  }
0x69: {  	vm9 =	vmand vm10, vm1;
	v19 =	vld [tilespmem:s3+$0x80]  }
0x6a: {  	v14 =	vsub.f32 $0.0e+00, v17;
	v13 =	vld [tilespmem:s0+$0x31];
	(xrf2) =	vadd.scan.msk.f32 $0xffff, v7  }
0x6b: {  	v7 =	vld [tilespmem:s3+$0x2080];
	v17, _, _ =	vpop (xrf2)  }
0x6c: {  	[tilespmem:v9+s14+$0x0] =	vst.idx.add.f32.msk vm8, v14;
	v9 =	vsub.f32 $0.0e+00, v12  }
0x6d: {  	[tilespmem:v11+s14+$0x0] =	vst.idx.add.f32.msk vm3, v12  }
0x6e: {  	vm8 =	vne.s32 v18, v16;
	[tilespmem:v6+s14+$0x0] =	vst.idx.add.f32.msk vm7, v9;
	v6, _, _ =	vpop (xrf2)  }
0x6f: {  	vm7 =	vmor vm8, vm0;
	v9 =	vsub.f32 $0.0e+00, v17;
	[tilespmem:v15+s14+$0x0] =	vst.idx.add.f32.msk vm6, v6;
	v11 =	vsub.f32 $0.0e+00, v6  }
0x70: {  	vm3 =	vne.s32 v19, v13;
	vm6 =	vmor vm2, vm0;
	[tilespmem:v8+s14+$0x0] =	vst.idx.add.f32.msk vm5, v17  }
0x71: {  	vm2 =	vmand vm2, vm1;
	vm5 =	vmand vm8, vm1;
	[tilespmem:v10+s14+$0x0] =	vst.idx.add.f32.msk vm9, v11;
	v6, _, _ =	vpop (xrf2)  }
0x72: {  	[tilespmem:v5+s14+$0x0] =	vst.idx.add.f32.msk vm4, v9  }
0x73: {  	v5 =	vld [tilespmem:s0+$0xFFFFFFB0]  }
0x74: {  	v8 =	vld [tilespmem:s0+$0xFFFFFFB1];
	v9, _, _ =	vpop (xrf2)  }
0x75: {  	v10 =	vsub.f32 $0.0e+00, v9;
	[tilespmem:v18+s14+$0x0] =	vst.idx.add.f32.msk vm7, v6;
	v6 =	vsub.f32 $0.0e+00, v6  }
0x76: {  	[tilespmem:v3+s14+$0x0] =	vst.idx.add.f32.msk vm6, v9  }
0x77: {  	[tilespmem:v4+s14+$0x0] =	vst.idx.add.f32.msk vm2, v10  }
0x78: {  	[tilespmem:v16+s14+$0x0] =	vst.idx.add.f32.msk vm5, v6;
	v3 =	vmov v5  }
0x79: {  	vm2 =	vne.s32 v3, v8;
	v16 =	vld [tilespmem:s0+$0x21];
	v4 =	vmov v8  }
0x7a: {  	v17 =	vld [tilespmem:s0+$0x41]  }
0x7b: {  	v8 =	vld [tilespmem:s0+$0x40]  }
0x7c: {  	v18 =	vld [tilespmem:s0+$0x20]  }
0x7d: {  	v5 =	vld [tilespmem:s30+$0x40]  }
0x7e: {  	v9 =	vld [tilespmem:s30+$0x20]  }
0x7f: {  	v20 =	vld [tilespmem:s0+$0x11];
	(xrf2) =	vadd.scan.msk.f32 $0xffff, v7  }
0x80: {  	v21 =	vld [tilespmem:s0+$0x10];
	vm6 =	vne.s32 v8, v17  }
0x81: {  	v6 =	vld [tilespmem:s30+$0x10];
	vm4 =	vne.s32 v18, v16  }
0x82: {  	v15 =	vld [tilespmem:s30+$0x0];
	(xrf2) =	vadd.scan.msk.f32 $0xffff, v5  }
0x83: {  	v10 =	vld [tilespmem:s30+$0xFFFFFFF0]  }
0x84: {  	v22 =	vld [tilespmem:s30+$0xFFFFFFE0]  }
0x85: {  	v23 =	vld [tilespmem:s30+$0xFFFFFFD0];
	vm7 =	vne.s32 v21, v20  }
0x86: {  	v12 =	vld [tilespmem:s30+$0xFFFFFFC0];
	(xrf2) =	vadd.scan.msk.f32 $0xffff, v6  }
0x87: {  	vm8 =	vmor vm6, vm0;
	v7 =	vld [tilespmem:s30+$0xFFFFFFB0]  }
0x88: {  	v5 =	vld [tilespmem:s0+$0xFFFFFFE1]  }
0x89: {  	vm9 =	vmor vm3, vm0;
	v6 =	vld [tilespmem:s0+$0x1];
	(xrf2) =	vadd.scan.msk.f32 $0xffff, v9;
	v24, _, _ =	vpop (xrf2)  }
0x8a: {  	v9 =	vld [tilespmem:s0+$0xFFFFFFF1]  }
0x8b: {  	vm5 =	vmor vm7, vm0;
	v14 =	vld [tilespmem:s0+$0xFFFFFFF0]  }
0x8c: {  	vm6 =	vmand vm6, vm1;
	v11 =	vld [tilespmem:s0+$0x0];
	v25, _, _ =	vpop (xrf2)  }
0x8d: {  	vm10 =	vmand vm3, vm1;
	vm11 =	vmand vm7, vm1;
	[tilespmem:v8+s14+$0x0] =	vst.idx.add.f32.msk vm8, v25;
	(xrf2) =	vadd.scan.msk.f32 $0xffff, v10  }
0x8e: {  	vm12 =	vmor vm4, vm0;
	v8 =	vld [tilespmem:s0+$0xFFFFFFE0]  }
0x8f: {  	[tilespmem:v19+s14+$0x0] =	vst.idx.add.f32.msk vm9, v24  }
0x90: {  	vm4 =	vmand vm4, vm1;
	v19 =	vsub.f32 $0.0e+00, v25;
	v10 =	vld [tilespmem:s0+$0xFFFFFFD1];
	vm8 =	vne.s32 v14, v9;
	(xrf2) =	vadd.scan.msk.f32 $0xffff, v15;
	v25, _, _ =	vpop (xrf2)  }
0x91: {  	v24 =	vsub.f32 $0.0e+00, v24;
	v15 =	vld [tilespmem:s0+$0xFFFFFFD0];
	vm7 =	vmor vm8, vm0;
	vm9 =	vne.s32 v11, v6  }
0x92: {  	vm3 =	vmor vm9, vm0;
	[tilespmem:v17+s14+$0x0] =	vst.idx.add.f32.msk vm6, v19  }
0x93: {  	vm13 =	vne.s32 v8, v5;
	[tilespmem:v13+s14+$0x0] =	vst.idx.add.f32.msk vm10, v24;
	(xrf2) =	vadd.scan.msk.f32 $0xffff, v22;
	v13, _, _ =	vpop (xrf2)  }
.Ltmp3:
0x94: {  	vm8 =	vmand vm8, vm1;
	[tilespmem:v18+s14+$0x0] =	vst.idx.add.f32.msk vm12, v13;
	v13 =	vsub.f32 $0.0e+00, v13;
	(pc) =	sbr.rel @p0 .LBB2_5-.Ltmp3, $4  }
0x95: {  	v18 =	vsub.f32 $0.0e+00, v25;
	[tilespmem:v21+s14+$0x0] =	vst.idx.add.f32.msk vm5, v25  }
0x96: {  	vm10 =	vne.s32 v15, v10;
	[tilespmem:v16+s14+$0x0] =	vst.idx.add.f32.msk vm4, v13;
	(xrf2) =	vadd.scan.msk.f32 $0xffff, v23  }
0x97: {  	vm5 =	vmor vm13, vm0;
	vm6 =	vmor vm10, vm0;
	[tilespmem:v20+s14+$0x0] =	vst.idx.add.f32.msk vm11, v18;
	v17, _, _ =	vpop (xrf2)  }
0x98: {  	s13 =	sadd.s32 $0xA0, s13;
	s0 =	sadd.s32 $0xA0, s0;
	vm4 =	vmand vm13, vm1;
	v16 =	vld [tilespmem:s29+$0xFFFFFFC1]  }
0x99: {  	_ =	sdelay $0x1  }
0x9a: {  	v13 =	vld [tilespmem:s29+$0xFFFFFFC0];
	vm9 =	vmand vm9, vm1  }
0x9b: {  	(xrf2) =	vadd.scan.msk.f32 $0xffff, v12  }
0x9c: {  	(xrf2) =	vadd.scan.msk.f32 $0xffff, v7;
	v7 =	vsub.f32 $0.0e+00, v17  }
0x9d: {  	[tilespmem:v14+s14+$0x0] =	vst.idx.add.f32.msk vm7, v17;
	v12, _, _ =	vpop (xrf2)  }
0x9e: {  	[tilespmem:v9+s14+$0x0] =	vst.idx.add.f32.msk vm8, v7;
	v7 =	vsub.f32 $0.0e+00, v12  }
0x9f: {  	vm7 =	vmand vm10, vm1;
	[tilespmem:v11+s14+$0x0] =	vst.idx.add.f32.msk vm3, v12;
	v9, _, _ =	vpop (xrf2);
	vm8 =	vne.s32 v13, v16  }
0xa0: {  	vm3 =	vmor vm8, vm0;
	[tilespmem:v6+s14+$0x0] =	vst.idx.add.f32.msk vm9, v7;
	v6, _, _ =	vpop (xrf2)  }
0xa1: {  	vm9 =	vmor vm2, vm0;
	[tilespmem:v15+s14+$0x0] =	vst.idx.add.f32.msk vm6, v6;
	v6 =	vsub.f32 $0.0e+00, v6  }
0xa2: {  	[tilespmem:v8+s14+$0x0] =	vst.idx.add.f32.msk vm5, v9;
	v7 =	vsub.f32 $0.0e+00, v9;
	vm5 =	vmand vm8, vm1  }
0xa3: {  	vm2 =	vmand vm2, vm1  }
0xa4: {  	[tilespmem:v5+s14+$0x0] =	vst.idx.add.f32.msk vm4, v7  }
0xa5: {  	[tilespmem:v10+s14+$0x0] =	vst.idx.add.f32.msk vm7, v6;
	v6, _, _ =	vpop (xrf2)  }
0xa6: {  	v5, _, _ =	vpop (xrf2);
	[tilespmem:v13+s14+$0x0] =	vst.idx.add.f32.msk vm3, v6;
	v6 =	vsub.f32 $0.0e+00, v6  }
0xa7: {  	v7 =	vsub.f32 $0.0e+00, v5;
	[tilespmem:v3+s14+$0x0] =	vst.idx.add.f32.msk vm9, v5  }
0xa8: {  	[tilespmem:v16+s14+$0x0] =	vst.idx.add.f32.msk vm5, v6  }
0xa9: {  	[tilespmem:v4+s14+$0x0] =	vst.idx.add.f32.msk vm2, v7  }
0xaa: {  	_ =	swait.ge [sflag:s21], $0xFA0  }
0xab: {  	[sflag:s21] =	ssyncset.done $0x0  }
0xac: {  	p0 =	seq.s32 s26, $0x18;
	[sflag:s21] =	ssyncadd.s32 $0xFFFFF060  }
0xad: {  	s0 =	sadd.s32 @!p0 s28, s10;
	_ =	swait.ge [sflag:s22], $0xFA0  }
0xae: {  	s0 =	sshrl.u32 @!p0 s0, $0x3;
	[sflag:s22] =	ssyncset.done $0x0  }
0xaf: {  	s13 =	simm.s32 @!p0 $0x0;
	s3 =	sadd.s32 @!p0 s1, s0;
	[sflag:s22] =	ssyncadd.s32 $0xFFFFF060  }
0xb0: {  	[tilespmem:s13], [sflag:$0x1] =	stream.linear.gather @!p0 [hbm4b:s3+s13], $0xFA0, $0x38;
	[tilespmem:$0x1E980] =	vst v63  }
0xb1: {  	s31 =	simm.s32 $0x0;
	s0 =	sadd.s32 @!p0 s2, s0;
	s3 =	simm.s32 @!p0 $0x2000  }
0xb2: {  	[tilespmem:s3], [sflag:$0x3] =	stream.linear.gather @!p0 [hbm4b:s0+s13], $0xFA0, $0x38;
	[tilespmem:$0x1E980] =	vst v63  }
0xb3: {  	s0 =	sand.u32 $0xFE0, s31  }
0xb4: {  	s28 =	simm.s32 $0x1050;
	v10 =	vld [tilespmem:s0+$0x1080]  }
0xb5: {  	v13 =	vld [tilespmem:s28+$0x31]  }
0xb6: {  	v5 =	vld [tilespmem:s0+$0x3080]  }
0xb7: {  	v3 =	vld [tilespmem:s28+$0xFFFFFFB0]  }
0xb8: {  	v4 =	vld [tilespmem:s28+$0xFFFFFFB1]  }
0xb9: {  	v16 =	vld [tilespmem:s28+$0x21]  }
0xba: {  	v15 =	vld [tilespmem:s28+$0x41]  }
0xbb: {  	v8 =	vld [tilespmem:s28+$0x40]  }
0xbc: {  	s29 =	simm.s32 $0x3050;
	v17 =	vld [tilespmem:s28+$0x20]  }
0xbd: {  	v6 =	vld [tilespmem:s29+$0x40]  }
0xbe: {  	v9 =	vld [tilespmem:s29+$0x20]  }
0xbf: {  	v18 =	vld [tilespmem:s28+$0x11]  }
0xc0: {  	v19 =	vld [tilespmem:s28+$0x10]  }
0xc1: {  	v20 =	vld [tilespmem:s29+$0x0]  }
0xc2: {  	v21 =	vld [tilespmem:s29+$0xFFFFFFF0];
	(xrf2) =	vadd.scan.msk.f32 $0xffff, v5  }
0xc3: {  	v5 =	vld [tilespmem:s29+$0x10];
	(xrf2) =	vadd.scan.msk.f32 $0xffff, v6  }
0xc4: {  	v22 =	vld [tilespmem:s29+$0xFFFFFFE0]  }
0xc5: {  	v23 =	vld [tilespmem:s29+$0xFFFFFFD0]  }
0xc6: {  	v12 =	vld [tilespmem:s29+$0xFFFFFFC0];
	vm4 =	vne.s32 v10, v13  }
0xc7: {  	v7 =	vld [tilespmem:s29+$0xFFFFFFB0];
	vm2 =	vne.s32 v8, v15;
	vm5 =	vmor vm4, vm0  }
0xc8: {  	v14 =	vld [tilespmem:s28+$0xFFFFFFF0];
	vm3 =	vmor vm2, vm0;
	(xrf2) =	vadd.scan.msk.f32 $0xffff, v5  }
0xc9: {  	v11 =	vld [tilespmem:s28+$0x0];
	(xrf2) =	vadd.scan.msk.f32 $0xffff, v9  }
0xca: {  	v6 =	vld [tilespmem:s28+$0x1]  }
0xcb: {  	vm2 =	vmand vm2, vm1;
	v5 =	vld [tilespmem:s28+$0xFFFFFFE1]  }
0xcc: {  	v9 =	vld [tilespmem:s28+$0xFFFFFFF1];
	v24, _, _ =	vpop (xrf2)  }
0xcd: {  	vm6 =	vne.s32 v17, v16;
	vm4 =	vmand vm4, vm1;
	v25, _, _ =	vpop (xrf2);
	[tilespmem:v10+s14+$0x0] =	vst.idx.add.f32.msk vm5, v24  }
0xce: {  	vm7 =	vmor vm6, vm0;
	(xrf2) =	vadd.scan.msk.f32 $0xffff, v21;
	[tilespmem:v8+s14+$0x0] =	vst.idx.add.f32.msk vm3, v25;
	vm3 =	vne.s32 v19, v18  }
0xcf: {  	v10 =	vld [tilespmem:s28+$0xFFFFFFD1];
	v62 =	vsub.f32 $0.0e+00, v25;
	vm8 =	vmor vm3, vm0  }
0xd0: {  	vm5 =	vmand vm6, vm1;
	v8 =	vld [tilespmem:s28+$0xFFFFFFE0];
	(xrf2) =	vadd.scan.msk.f32 $0xffff, v20  }
0xd1: {  	v24 =	vsub.f32 $0.0e+00, v24;
	[tilespmem:v15+s14+$0x0] =	vst.idx.add.f32.msk vm2, v62  }
0xd2: {  	vm6 =	vmand vm3, vm1;
	v15 =	vld [tilespmem:s28+$0xFFFFFFD0];
	v63, _, _ =	vpop (xrf2)  }
0xd3: {  	[tilespmem:v13+s14+$0x0] =	vst.idx.add.f32.msk vm4, v24;
	vm4 =	vne.s32 v14, v9;
	(xrf2) =	vadd.scan.msk.f32 $0xffff, v22;
	v13, _, _ =	vpop (xrf2)  }
0xd4: {  	[tilespmem:v17+s14+$0x0] =	vst.idx.add.f32.msk vm7, v13;
	v13 =	vsub.f32 $0.0e+00, v13;
	v17 =	vsub.f32 $0.0e+00, v63;
	vm7 =	vmor vm4, vm0  }
0xd5: {  	vm9 =	vne.s32 v11, v6;
	[tilespmem:v19+s14+$0x0] =	vst.idx.add.f32.msk vm8, v63  }
0xd6: {  	vm3 =	vmor vm9, vm0;
	vm2 =	vne.s32 v3, v4;
	(xrf2) =	vadd.scan.msk.f32 $0xffff, v23;
	[tilespmem:v16+s14+$0x0] =	vst.idx.add.f32.msk vm5, v13  }
0xd7: {  	vm11 =	vne.s32 v8, v5;
	vm8 =	vmand vm4, vm1;
	vm10 =	vne.s32 v15, v10;
	v16 =	vld [tilespmem:s28+$0xFFFFFFC1]  }
0xd8: {  	s30 =	simm.s32 $0x0;
	s13 =	simm.s32 $0xA0;
	s0 =	simm.s32 $0x10F0;
	vm5 =	vmor vm11, vm0;
	vm4 =	vmand vm11, vm1;
	[tilespmem:v18+s14+$0x0] =	vst.idx.add.f32.msk vm6, v17;
	vm6 =	vmor vm10, vm0;
	v17, _, _ =	vpop (xrf2)  }
.LBB2_7:
0xd9: {  	s3 =	sand.u32 $0xFE0, s13;
	s30 =	sadd.s32 $0xA, s30;
	v18 =	vld [tilespmem:s28+$0xFFFFFFC0];
	s29 =	sadd.s32 $0xA0, s29;
	(xrf2) =	vadd.scan.msk.f32 $0xffff, v12  }
0xda: {  	s28 =	smov.u32 s0;
	p0 =	slt.u32 s30, $0xF0;
	[tilespmem:v14+s14+$0x0] =	vst.idx.add.f32.msk vm7, v17;
	vm7 =	vmand vm9, vm1;
	v12, _, _ =	vpop (xrf2)  }
0xdb: {  	vm9 =	vmand vm10, vm1;
	v19 =	vld [tilespmem:s3+$0x1080]  }
0xdc: {  	v14 =	vsub.f32 $0.0e+00, v17;
	v13 =	vld [tilespmem:s0+$0x31];
	(xrf2) =	vadd.scan.msk.f32 $0xffff, v7  }
0xdd: {  	v7 =	vld [tilespmem:s3+$0x3080];
	v17, _, _ =	vpop (xrf2)  }
0xde: {  	[tilespmem:v9+s14+$0x0] =	vst.idx.add.f32.msk vm8, v14;
	v9 =	vsub.f32 $0.0e+00, v12  }
0xdf: {  	[tilespmem:v11+s14+$0x0] =	vst.idx.add.f32.msk vm3, v12  }
0xe0: {  	vm8 =	vne.s32 v18, v16;
	[tilespmem:v6+s14+$0x0] =	vst.idx.add.f32.msk vm7, v9;
	v6, _, _ =	vpop (xrf2)  }
0xe1: {  	vm7 =	vmor vm8, vm0;
	v9 =	vsub.f32 $0.0e+00, v17;
	[tilespmem:v15+s14+$0x0] =	vst.idx.add.f32.msk vm6, v6;
	v11 =	vsub.f32 $0.0e+00, v6  }
0xe2: {  	vm3 =	vne.s32 v19, v13;
	vm6 =	vmor vm2, vm0;
	[tilespmem:v8+s14+$0x0] =	vst.idx.add.f32.msk vm5, v17  }
0xe3: {  	vm2 =	vmand vm2, vm1;
	vm5 =	vmand vm8, vm1;
	[tilespmem:v10+s14+$0x0] =	vst.idx.add.f32.msk vm9, v11;
	v6, _, _ =	vpop (xrf2)  }
0xe4: {  	[tilespmem:v5+s14+$0x0] =	vst.idx.add.f32.msk vm4, v9  }
0xe5: {  	v5 =	vld [tilespmem:s0+$0xFFFFFFB0]  }
0xe6: {  	v8 =	vld [tilespmem:s0+$0xFFFFFFB1];
	v9, _, _ =	vpop (xrf2)  }
0xe7: {  	v10 =	vsub.f32 $0.0e+00, v9;
	[tilespmem:v18+s14+$0x0] =	vst.idx.add.f32.msk vm7, v6;
	v6 =	vsub.f32 $0.0e+00, v6  }
0xe8: {  	[tilespmem:v3+s14+$0x0] =	vst.idx.add.f32.msk vm6, v9  }
0xe9: {  	[tilespmem:v4+s14+$0x0] =	vst.idx.add.f32.msk vm2, v10  }
0xea: {  	[tilespmem:v16+s14+$0x0] =	vst.idx.add.f32.msk vm5, v6;
	v3 =	vmov v5  }
0xeb: {  	vm2 =	vne.s32 v3, v8;
	v16 =	vld [tilespmem:s0+$0x21];
	v4 =	vmov v8  }
0xec: {  	v17 =	vld [tilespmem:s0+$0x41]  }
0xed: {  	v8 =	vld [tilespmem:s0+$0x40]  }
0xee: {  	v18 =	vld [tilespmem:s0+$0x20]  }
0xef: {  	v5 =	vld [tilespmem:s29+$0x40]  }
0xf0: {  	v9 =	vld [tilespmem:s29+$0x20]  }
0xf1: {  	v20 =	vld [tilespmem:s0+$0x11];
	(xrf2) =	vadd.scan.msk.f32 $0xffff, v7  }
0xf2: {  	v21 =	vld [tilespmem:s0+$0x10];
	vm6 =	vne.s32 v8, v17  }
0xf3: {  	v6 =	vld [tilespmem:s29+$0x10];
	vm4 =	vne.s32 v18, v16  }
0xf4: {  	v15 =	vld [tilespmem:s29+$0x0];
	(xrf2) =	vadd.scan.msk.f32 $0xffff, v5  }
0xf5: {  	v10 =	vld [tilespmem:s29+$0xFFFFFFF0]  }
0xf6: {  	v22 =	vld [tilespmem:s29+$0xFFFFFFE0]  }
0xf7: {  	v23 =	vld [tilespmem:s29+$0xFFFFFFD0];
	vm7 =	vne.s32 v21, v20  }
0xf8: {  	v12 =	vld [tilespmem:s29+$0xFFFFFFC0];
	(xrf2) =	vadd.scan.msk.f32 $0xffff, v6  }
0xf9: {  	vm8 =	vmor vm6, vm0;
	v7 =	vld [tilespmem:s29+$0xFFFFFFB0]  }
0xfa: {  	v5 =	vld [tilespmem:s0+$0xFFFFFFE1]  }
0xfb: {  	vm9 =	vmor vm3, vm0;
	v6 =	vld [tilespmem:s0+$0x1];
	(xrf2) =	vadd.scan.msk.f32 $0xffff, v9;
	v24, _, _ =	vpop (xrf2)  }
0xfc: {  	v9 =	vld [tilespmem:s0+$0xFFFFFFF1]  }
0xfd: {  	vm5 =	vmor vm7, vm0;
	v14 =	vld [tilespmem:s0+$0xFFFFFFF0]  }
0xfe: {  	vm6 =	vmand vm6, vm1;
	v11 =	vld [tilespmem:s0+$0x0];
	v25, _, _ =	vpop (xrf2)  }
0xff: {  	vm10 =	vmand vm3, vm1;
	vm11 =	vmand vm7, vm1;
	[tilespmem:v8+s14+$0x0] =	vst.idx.add.f32.msk vm8, v25;
	(xrf2) =	vadd.scan.msk.f32 $0xffff, v10  }
0x100: {  	vm12 =	vmor vm4, vm0;
	v8 =	vld [tilespmem:s0+$0xFFFFFFE0]  }
0x101: {  	[tilespmem:v19+s14+$0x0] =	vst.idx.add.f32.msk vm9, v24  }
0x102: {  	vm4 =	vmand vm4, vm1;
	v19 =	vsub.f32 $0.0e+00, v25;
	v10 =	vld [tilespmem:s0+$0xFFFFFFD1];
	vm8 =	vne.s32 v14, v9;
	(xrf2) =	vadd.scan.msk.f32 $0xffff, v15;
	v25, _, _ =	vpop (xrf2)  }
0x103: {  	v24 =	vsub.f32 $0.0e+00, v24;
	v15 =	vld [tilespmem:s0+$0xFFFFFFD0];
	vm7 =	vmor vm8, vm0;
	vm9 =	vne.s32 v11, v6  }
0x104: {  	vm3 =	vmor vm9, vm0;
	[tilespmem:v17+s14+$0x0] =	vst.idx.add.f32.msk vm6, v19  }
0x105: {  	vm13 =	vne.s32 v8, v5;
	[tilespmem:v13+s14+$0x0] =	vst.idx.add.f32.msk vm10, v24;
	(xrf2) =	vadd.scan.msk.f32 $0xffff, v22;
	v13, _, _ =	vpop (xrf2)  }
.Ltmp4:
0x106: {  	vm8 =	vmand vm8, vm1;
	[tilespmem:v18+s14+$0x0] =	vst.idx.add.f32.msk vm12, v13;
	v13 =	vsub.f32 $0.0e+00, v13;
	(pc) =	sbr.rel @p0 .LBB2_7-.Ltmp4, $4  }
0x107: {  	v18 =	vsub.f32 $0.0e+00, v25;
	[tilespmem:v21+s14+$0x0] =	vst.idx.add.f32.msk vm5, v25  }
0x108: {  	vm10 =	vne.s32 v15, v10;
	[tilespmem:v16+s14+$0x0] =	vst.idx.add.f32.msk vm4, v13;
	(xrf2) =	vadd.scan.msk.f32 $0xffff, v23  }
0x109: {  	vm5 =	vmor vm13, vm0;
	vm6 =	vmor vm10, vm0;
	[tilespmem:v20+s14+$0x0] =	vst.idx.add.f32.msk vm11, v18;
	v17, _, _ =	vpop (xrf2)  }
0x10a: {  	s13 =	sadd.s32 $0xA0, s13;
	s0 =	sadd.s32 $0xA0, s0;
	vm4 =	vmand vm13, vm1;
	v16 =	vld [tilespmem:s28+$0xFFFFFFC1]  }
0x10b: {  	_ = 	snop  }
0x10c: {  	v13 =	vld [tilespmem:s28+$0xFFFFFFC0]  }
0x10d: {  	(xrf2) =	vadd.scan.msk.f32 $0xffff, v12  }
0x10e: {  	vm9 =	vmand vm9, vm1;
	(xrf2) =	vadd.scan.msk.f32 $0xffff, v7  }
0x10f: {  	v55 =	vsub.f32 $0.0e+00, v17  }
0x110: {  	[tilespmem:v14+s14+$0x0] =	vst.idx.add.f32.msk vm7, v17  }
0x111: {  	vm12 =	vmand vm10, vm1;
	v56, _, _ =	vpop (xrf2);
	[tilespmem:v9+s14+$0x0] =	vst.idx.add.f32.msk vm8, v55;
	vm13 =	vne.s32 v13, v16  }
0x112: {  	v57 =	vsub.f32 $0.0e+00, v56;
	[tilespmem:v11+s14+$0x0] =	vst.idx.add.f32.msk vm3, v56;
	v58, _, _ =	vpop (xrf2);
	vm3 =	vmor vm13, vm0  }
0x113: {  	vm14 =	vmor vm2, vm0;
	v60 =	vsub.f32 $0.0e+00, v58;
	[tilespmem:v8+s14+$0x0] =	vst.idx.add.f32.msk vm5, v58  }
0x114: {  	[tilespmem:v6+s14+$0x0] =	vst.idx.add.f32.msk vm9, v57;
	vm15 =	vmand vm13, vm1;
	v59, _, _ =	vpop (xrf2)  }
0x115: {  	vm2 =	vmand vm2, vm1;
	s26 =	sadd.s32 $0x1, s26;
	[tilespmem:v5+s14+$0x0] =	vst.idx.add.f32.msk vm4, v60;
	v6 =	vsub.f32 $0.0e+00, v59  }
0x116: {  	p0 =	sne.s32 s26, $0x19;
	[tilespmem:v15+s14+$0x0] =	vst.idx.add.f32.msk vm6, v59  }
.Ltmp5:
0x117: {  	[tilespmem:v10+s14+$0x0] =	vst.idx.add.f32.msk vm12, v6;
	v61, _, _ =	vpop (xrf2);
	(pc) =	sbr.rel @p0 .LBB2_4-.Ltmp5, $4  }
0x118: {  	v62, _, _ =	vpop (xrf2);
	v6 =	vsub.f32 $0.0e+00, v61;
	[tilespmem:v13+s14+$0x0] =	vst.idx.add.f32.msk vm3, v61  }
0x119: {  	v63 =	vsub.f32 $0.0e+00, v62;
	[tilespmem:v3+s14+$0x0] =	vst.idx.add.f32.msk vm14, v62  }
0x11a: {  	[tilespmem:v16+s14+$0x0] =	vst.idx.add.f32.msk vm15, v6  }
0x11b: {  	[tilespmem:v4+s14+$0x0] =	vst.idx.add.f32.msk vm2, v63  }
0x11c: {  	v3 =	vld [tilespmem:$0x1F90];
	_ =	sdelay $0x1  }
0x11d: {  	(v2sf) =	vpush v2, $0x0;
	_ =	sdelay $0x2  }
0x11e: {  	(v2sf) =	vpush v3, $0xF;
	_ =	sdelay $0xb  }
0x11f: {  	s0 =	spop (v2sf)  }
0x120: {  	s28 =	simm.s32 $0x1;
	s3 =	sshra.s32 s0, $0x1F  }
0x121: {  	s13 =	sand.u32 $0x7F, s0;
	p0 =	slt.s32 s0, $0x1;
	s3 =	sshrl.u32 s3, $0x19  }
0x122: {  	p1 =	sne.s32 s13, $0x0;
	s0 =	sadd.s32 s3, s0;
	s25 =	spop (v2sf)  }
0x123: {  	p0 =	por !p0, !p1;
	s13 =	sshra.s32 s0, $0x7;
	s29 =	sand.u32 $0x7F, s25  }
0x124: {  	s30 =	sshra.s32 s25, $0x1F;
	p6 =	slt.s32 s25, $0x1;
	p2 =	sne.s32 s29, $0x0  }
0x125: {  	p0 =	por !p0, !p0;
	s3 =	sshrl.u32 s30, $0x19;
	p1 =	por !p6, !p2  }
0x126: {  	s0 =	simm.s32 $0x1;
	s3 =	sadd.s32 s3, s25;
	p1 =	por !p1, !p1  }
0x127: {  	s0 =	simm.s32 @!p0 $0x0;
	s26 =	sshra.s32 s3, $0x7;
	s28 =	simm.s32 @!p1 $0x0  }
0x128: {  	s25 =	ssub.s32 s13, s0;
	s31 =	ssub.s32 s26, s28  }
0x129: {  	p2 =	sgt.s32 s25, s31  }
.Ltmp6:
0x12a: {  	_ = 	snop;
	(pc) =	sbr.rel @p2 .LBB2_13-.Ltmp6, $1  }
0x12b: {  	_ =	sdelay $0x3  }
0x12c: {  	s0 =	sshll.u32 s25, $0x7  }
0x12d: {  	s0 =	sor.u32 $0x70, s0  }
0x12e: {  	v2 =	vor.u32 s0, v1;
	s28 =	sadd.s32 $0xFFFFFFE0, s0  }
0x12f: {  	s3 =	sadd.s32 $0xFFFFFFF0, s0;
	[tilespmem:$0x1D070] =	vst v2;
	v2 =	vor.u32 s28, v1;
	s28 =	simm.s32 $0xFFFFFFFF  }
0x130: {  	s29 =	sadd.s32 $0xFFFFFF90, s0;
	v3 =	vor.u32 s3, v1;
	s28 =	simm.s32 @!p1 $0x0  }
0x131: {  	[tilespmem:$0x1D060] =	vst v3;
	v3 =	vor.u32 s29, v1;
	s29 =	simm.s32 $0xFFFFFFFF;
	s26 =	sadd.s32 s28, s26  }
0x132: {  	s29 =	simm.s32 @!p0 $0x0;
	s26 =	ssub.s32 s26, s13  }
0x133: {  	s30 =	sadd.s32 $0xFFFFFFD0, s0;
	[tilespmem:$0x1D050] =	vst v2;
	s3 =	ssub.s32 s26, s29  }
0x134: {  	s31 =	sadd.s32 $0xFFFFFFB0, s0;
	v2 =	vor.u32 s30, v1;
	[tilespmem:$0x1D000] =	vst v3;
	s3 =	sadd.s32 $0x1, s3  }
0x135: {  	s28 =	sadd.s32 $0xFFFFFFC0, s0;
	v3 =	vor.u32 s31, v1;
	[tilespmem:$0x1D040] =	vst v2;
	p0 =	sne.s32 s3, $0x1  }
.Ltmp7:
0x136: {  	s30 =	sshll.u32 s25, $0x9;
	s31 =	sadd.s32 $0xFFFFFFA0, s0;
	v2 =	vor.u32 s28, v1;
	[tilespmem:$0x1D020] =	vst v3;
	(pc) =	sbr.rel @!p0 .LBB2_12-.Ltmp7, $4  }
0x137: {  	s13 =	sshra.s32 s30, $0x2;
	v3 =	vor.u32 s31, v1;
	[tilespmem:$0x1D030] =	vst v2  }
0x138: {  	s13 =	sadd.s32 $0x4000, s13;
	[tilespmem:$0x1D010] =	vst v3  }
0x139: {  	[spmem:s4] =	stream.indirect.scatter.add.f32 [tilespmem:s13], [sflag:$0x5], $0x1, s16, s23, $0xb8;
	[tilespmem:$0x1E980] =	vst v63  }
0x13a: {  	s25 =	sadd.s32 $0xFFFFFFFF, s3  }
.LBB2_11:
0x13b: {  	_ =	swait.ge [sflag:s15], $0x80;
	s13 =	sadd.s32 $0x80, s13;
	s0 =	sadd.s32 $0x80, s0  }
0x13c: {  	p0 =	sne.s32 s25, $0x1;
	s25 =	sadd.s32 $0xFFFFFFFF, s25;
	[sflag:s15] =	ssyncset.done $0x0  }
0x13d: {  	s3 =	sadd.s32 $0xFFFFFFF0, s0;
	v2 =	vor.u32 s0, v1;
	[sflag:s15] =	ssyncadd.s32 $0xFFFFFF80  }
0x13e: {  	s26 =	sadd.s32 $0xFFFFFFE0, s0;
	v3 =	vor.u32 s3, v1;
	[tilespmem:$0x1D070] =	vst v2  }
0x13f: {  	s3 =	sadd.s32 $0xFFFFFF90, s0;
	v2 =	vor.u32 s26, v1;
	[tilespmem:$0x1D060] =	vst v3  }
0x140: {  	v3 =	vor.u32 s3, v1;
	s3 =	sadd.s32 $0xFFFFFFD0, s0;
	[tilespmem:$0x1D050] =	vst v2  }
0x141: {  	s28 =	sadd.s32 $0xFFFFFFB0, s0;
	s29 =	sadd.s32 $0xFFFFFFC0, s0;
	s26 =	sadd.s32 $0xFFFFFFA0, s0;
	v2 =	vor.u32 s3, v1;
	[tilespmem:$0x1D000] =	vst v3  }
.Ltmp8:
0x142: {  	v4 =	vor.u32 s28, v1;
	v5 =	vor.u32 s29, v1;
	v3 =	vor.u32 s26, v1;
	[tilespmem:$0x1D040] =	vst v2;
	(pc) =	sbr.rel @p0 .LBB2_11-.Ltmp8, $4  }
0x143: {  	[tilespmem:$0x1D020] =	vst v4  }
0x144: {  	[tilespmem:$0x1D030] =	vst v5  }
0x145: {  	[tilespmem:$0x1D010] =	vst v3  }
0x146: {  	[spmem:s4] =	stream.indirect.scatter.add.f32 [tilespmem:s13], [sflag:$0x5], $0x1, s16, s23, $0xb8;
	[tilespmem:$0x1E980] =	vst v63  }
.Ltmp9:
0x147: {  	_ = 	snop;
	(pc) =	sbr.rel .LBB2_12-.Ltmp9, $1  }
0x148: {  	_ =	sdelay $0x3  }
.LBB2_14:
0x149: {  	_ =	sfence.sel $0x180000  }
0x14a: {  	[bflag:$0x0] =	sbarrier.arrive $0xFFFF  }
0x14b: {  	_ =	strace $0x90000047  }
0x14c: {  	s0 =	stileid.u32;
	[bflag:$0x2] =	sbarrier.arrive $0xFFFF  }
0x14d: {  	p0 =	sne.s32 s0, $0x0;
	s0 =	rddreg [dreg:$0x4]  }
0x14e: {  	s0 =	sadd.s32 @!p0 $0x100000, s0  }
0x14f: {  	[sflag:s0] =	ssyncadd.tile.s32 @!p0 $0x1;
	_ =	shalt  }
.Lfunc_end2:
_tile_overlayer_lowered:
.L_overlay_start_2:
0x150: {  	(tag) =	ssettag $0x2  }
0x151: {  	s0 =	rddreg [dreg:$0x0];
	s2 =	stileid.u32  }
0x152: {  	s1 =	rddreg [dreg:$0x1];
	p0 =	sne.s32 s2, $0x0  }
0x153: {  	s3 =	rddreg [dreg:$0x2];
	[bflag:$0x3] =	sbarrier.arrive $0xFFFF;
	s2 =	simm.s32 @!p0 $0x1C05  }
0x154: {  	[timem:s3], [sflag:s2] =	dma.local @!p0 [hbm:s0], s1  }
0x155: {  	s0 =	simm.s32 @!p0 $0x5  }
0x156: {  	_ =	swait.ge @!p0 [sflag:s0], s1  }
0x157: {  	s1 =	ssub.s32 @!p0 $0x0, s1;
	[sflag:s0] =	ssyncset.done @!p0 $0x0  }
0x158: {  	[sflag:s0] =	ssyncadd.s32 @!p0 s1  }
0x159: {  	[bflag:$0x3] =	sbarrier.arrive $0xFFFF  }
0x15a: {  	_ =	shalt  }

// kernel: kernel.7.cloned.1.call-start
scs
__scs_entry_jumppad:
0x0: {  	(pc) =	sbr.rel $0x88, $3  }
0x1: {  	(tag) =	ssettag $0x0;
	lr =	simm.s32 $0x1  }
0x2: {  	[smem:$0x3F9F] =	sst lr;
	_ =	strace $0xD0000000  }
0x3: {  	_ = 	snop  }
0x4: {  	_ = 	snop  }
0x5: {  	_ = 	snop  }
0x6: {  	_ = 	snop  }
0x7: {  	_ = 	snop  }
__scs_overlays_trampoline_lowered:
0x8: {  	[smem:$0x3FAE] =	sst s0  }
0x9: {  	[smem:$0x3FAF] =	sst s1  }
0xa: {  	[smem:$0x3FB0] =	sst s2  }
0xb: {  	[smem:$0x3FB1] =	sst s3  }
0xc: {  	[smem:$0x3FB2] =	sst s4  }
0xd: {  	[smem:$0x3FB3] =	sst s5  }
0xe: {  	[smem:$0x3FB4] =	sst s6  }
0xf: {  	[smem:$0x3FB5] =	sst s7  }
0x10: {  	[smem:$0x3FB6] =	sst s8  }
0x11: {  	[smem:$0x3FB7] =	sst s9;
	s0 =	simm.s32 @!p0 $0x0  }
0x12: {  	s1 =	sld [smem:$0x3F9D];
	s0 =	simm.s32 @p0 $0x1  }
0x13: {  	[smem:$0x3FB8] =	sst s0;
	s0 =	simm.s32 @!p1 $0x0  }
0x14: {  	s2 =	sld [smem:$0x3F9C];
	s0 =	simm.s32 @p1 $0x1  }
0x15: {  	[smem:$0x3FB9] =	sst s0;
	s0 =	simm.s32 @!p2 $0x0  }
0x16: {  	s3 =	sld [smem:$0x3FDB];
	s0 =	simm.s32 @p2 $0x1  }
0x17: {  	s4 =	simm.s32 $0x1BF5;
	[smem:$0x3FBB] =	sst s0  }
0x18: {  	s0 =	sld [smem:$0x3F9E];
	_ =	swait.ge [sflag:s4], $0x0  }
0x19: {  	s7 =	sld [smem:$0x3F9F]  }
0x1a: {  	s8 =	sadd.s32 $0xFFFFE003, lr  }
0x1b: {  	s9 =	sadd.s32 $0xFFFFFEF7, lr;
	s5 =	simm.s32 $0xFFFFFFFF;
	p2 =	slt.u32 s8, $0xFFFFF086  }
0x1c: {  	p1 =	slt.u32 s9, $0xF7A;
	s5 =	simm.s32 @!p2 $0x0  }
0x1d: {  	s5 =	simm.s32 @p1 $0x1;
	p0 =	seq.s32 s7, s2  }
0x1e: {  	s7 =	smul.u32 @!p0 $0xF7A, s2;
	p2 =	seq.s32 @!p0 s5, $0x0  }
0x1f: {  	s9 =	smul.u32 $0xF7A, s1;
	s8 =	simm.s32 @!p0 $0x1BF5;
	p2 =	por !p2, p0  }
0x20: {  	[sflag:s8] =	ssyncset.s32 @!p0 $0xFFFFF086;
	s6 =	sadd.s32 @!p0 s3, s7;
	s7 =	simm.s32 @!p0 $0x108  }
0x21: {  	s3 =	sadd.s32 s3, s9;
	s6 =	sadd.s32 @!p0 $0x88, s6;
	s7 =	simm.s32 @p2 $0x1082  }
0x22: {  	[simem:s7], [sflag:s8] =	dma.local @!p0 [hbm:s6], $0xF7A  }
0x23: {  	s9 =	sor.u32 $0xD0000000, s2;
	s6 =	simm.s32 $0x108;
	_ =	swait.ge @!p0 [sflag:s8], $0x0  }
0x24: {  	s3 =	sadd.s32 $0x88, s3;
	s6 =	simm.s32 @!p1 $0x1082;
	[sflag:s4] =	ssyncset.s32 $0xFFFFF086  }
0x25: {  	[simem:s6], [sflag:s4] =	dma.local [hbm:s3], $0xF7A  }
0x26: {  	[smem:$0x3F9F] =	sst s1;
	(tag) =	ssettag s2;
	_ =	strace s9  }
0x27: {  	s1 =	sld [smem:$0x3FAF]  }
0x28: {  	s2 =	sld [smem:$0x3FB0]  }
0x29: {  	s4 =	sld [smem:$0x3FB2]  }
0x2a: {  	p0 =	seq.s32 s5, $0x0;
	s5 =	sld [smem:$0x3FB3]  }
0x2b: {  	s6 =	sld [smem:$0x3FB4]  }
0x2c: {  	s7 =	sld [smem:$0x3FB5]  }
0x2d: {  	s3 =	simm.s32 $0x108;
	s8 =	sld [smem:$0x3FB6]  }
0x2e: {  	s3 =	simm.s32 @!p0 $0x1082;
	s9 =	sld [smem:$0x3FB7]  }
0x2f: {  	lr =	sadd.s32 s0, s3;
	s0 =	sld [smem:$0x3FAE]  }
0x30: {  	s3 =	sld [smem:$0x3FB1]  }
0x31: {  	[smem:$0x3FBA] =	sst s10  }
0x32: {  	s10 =	sld [smem:$0x3FB8];
	_ =	sdelay $0x3  }
0x33: {  	p0 =	seq.s32 s10, $0x1;
	s10 =	sld [smem:$0x3FBA];
	_ =	sdelay $0x3  }
0x34: {  	[smem:$0x3FBA] =	sst s10  }
0x35: {  	s10 =	sld [smem:$0x3FB9];
	_ =	sdelay $0x3  }
0x36: {  	p1 =	seq.s32 s10, $0x1;
	s10 =	sld [smem:$0x3FBA];
	_ =	sdelay $0x3  }
0x37: {  	[smem:$0x3FBA] =	sst s10  }
0x38: {  	s10 =	sld [smem:$0x3FBB]  }
0x39: {  	_ = 	snop;
	(pc) =	sbr.ind lr, $3  }
0x3a: {  	_ = 	snop  }
0x3b: {  	_ = 	snop  }
0x3c: {  	p2 =	seq.s32 s10, $0x1;
	s10 =	sld [smem:$0x3FBA]  }
0x3d: {  	_ =	shalt  }
0x3e: {  	_ =	shalt  }
0x3f: {  	_ =	shalt  }
0x40: {  	_ =	shalt  }
0x41: {  	_ =	shalt  }
0x42: {  	_ =	shalt  }
0x43: {  	_ =	shalt  }
0x44: {  	_ =	shalt  }
0x45: {  	_ =	shalt  }
0x46: {  	_ =	shalt  }
0x47: {  	_ =	shalt  }
0x48: {  	_ =	shalt  }
0x49: {  	_ =	shalt  }
0x4a: {  	_ =	shalt  }
0x4b: {  	_ =	shalt  }
0x4c: {  	_ =	shalt  }
0x4d: {  	_ =	shalt  }
0x4e: {  	_ =	shalt  }
0x4f: {  	_ =	shalt  }
0x50: {  	_ =	shalt  }
0x51: {  	_ =	shalt  }
0x52: {  	_ =	shalt  }
0x53: {  	_ =	shalt  }
0x54: {  	_ =	shalt  }
0x55: {  	_ =	shalt  }
0x56: {  	_ =	shalt  }
0x57: {  	_ =	shalt  }
0x58: {  	_ =	shalt  }
0x59: {  	_ =	shalt  }
0x5a: {  	_ =	shalt  }
0x5b: {  	_ =	shalt  }
0x5c: {  	_ =	shalt  }
0x5d: {  	_ =	shalt  }
0x5e: {  	_ =	shalt  }
0x5f: {  	_ =	shalt  }
0x60: {  	_ =	shalt  }
0x61: {  	_ =	shalt  }
0x62: {  	_ =	shalt  }
0x63: {  	_ =	shalt  }
0x64: {  	_ =	shalt  }
0x65: {  	_ =	shalt  }
0x66: {  	_ =	shalt  }
0x67: {  	_ =	shalt  }
0x68: {  	_ =	shalt  }
0x69: {  	_ =	shalt  }
0x6a: {  	_ =	shalt  }
0x6b: {  	_ =	shalt  }
0x6c: {  	_ =	shalt  }
0x6d: {  	_ =	shalt  }
0x6e: {  	_ =	shalt  }
0x6f: {  	_ =	shalt  }
0x70: {  	_ =	shalt  }
0x71: {  	_ =	shalt  }
0x72: {  	_ =	shalt  }
0x73: {  	_ =	shalt  }
0x74: {  	_ =	shalt  }
0x75: {  	_ =	shalt  }
0x76: {  	_ =	shalt  }
0x77: {  	_ =	shalt  }
0x78: {  	_ =	shalt  }
0x79: {  	_ =	shalt  }
0x7a: {  	_ =	shalt  }
0x7b: {  	_ =	shalt  }
0x7c: {  	_ =	shalt  }
0x7d: {  	_ =	shalt  }
0x7e: {  	_ =	shalt  }
0x7f: {  	_ =	shalt  }
0x80: {  	_ =	shalt  }
0x81: {  	_ =	shalt  }
0x82: {  	_ =	shalt  }
0x83: {  	_ =	shalt  }
0x84: {  	_ =	shalt  }
0x85: {  	_ =	shalt  }
0x86: {  	_ =	shalt  }
0x87: {  	_ =	shalt  }
.Lfunc_end0:
.L_simem_size_0:
called_computation.1_lowered:
.L_overlay_start_0:
0x88: {  	s2 =	sld [smem:$0x3FD9]  }
0x89: {  	s3 =	sld [smem:$0x3FFE];
	_ =	sdelay $0x1  }
0x8a: {  	s1 =	srdreg.scid  }
0x8b: {  	s0 =	sand.u32 $0x1, s1  }
0x8c: {  	s16 =	sshll.u32 s0, $0xA;
	s2 =	sadd.s32 s3, s2  }
0x8d: {  	s2 =	sadd.s32 s2, s16  }
0x8e: {  	[smem:$0x3FC6] =	sst s2  }
0x8f: {  	_ = 	snop  }
0x90: {  	(tm) =	ssettm $0x1  }
0x91: {  	s17 =	sld [smem:$0x3FFB];
	_ =	sdelay $0x3  }
0x92: {  	_ =	strace s17  }
0x93: {  	s2 =	sld [smem:$0x3FFC];
	_ =	sdelay $0x3  }
0x94: {  	_ =	strace s2  }
0x95: {  	s2 =	sld [smem:$0x3FFD];
	_ =	sdelay $0x3  }
0x96: {  	_ =	strace s2  }
0x97: {  	_ =	strace $0x8FFFFFFF  }
0x98: {  	s18 =	sld [smem:$0x3FDB];
	_ =	sdelay $0x1  }
0x99: {  	s19 =	simm.s32 $_scs_section_size  }
0x9a: {  	s4 =	simm.s32 $_size__tile_overlayer_lowered;
	s5 =	simm.s32 $_tile_overlayer_lowered  }
0x9b: {  	s22 =	simm.s32 $0x1BFF;
	s21 =	sshll.u32 s5, $0x1;
	s2 =	sadd.s32 s19, s18  }
0x9c: {  	s6 =	simm.s32 $0x0;
	s20 =	sshll.u32 s4, $0x1;
	s4 =	sadd.s32 s21, s2  }
0x9d: {  	[timem:s6], [sflag:s22] =	dma.local [hbm:s4], s20  }
0x9e: {  	_ =	swait.ge [sflag:s22], s20  }
0x9f: {  	s3 =	ssub.s32 $0x0, s20;
	[sflag:s22] =	ssyncset.done $0x0  }
0xa0: {  	[sflag:s22] =	ssyncadd.s32 s3;
	_ =	sdelay $0x1  }
0xa1: {  	s23 =	simm.s32 $0x1B8B  }
0xa2: {  	_ =	swait.ge [sflag:s23], $0x1  }
0xa3: {  	[sflag:s23] =	ssyncset.done $0x0  }
0xa4: {  	s25 =	simm.s32 $0x1B8E;
	s24 =	sld [smem:$0x3FFE];
	[sflag:s23] =	ssyncadd.s32 $0xFFFFFFFF  }
0xa5: {  	s26 =	simm.s32 $execute0_lowered;
	[smem:$0x3FD2] =	sst s25  }
0xa6: {  	s4 =	sshll.u32 s26, $0x1;
	_ =	strace $0x80000049;
	[dreg:$0x1] =	wrdreg $0xFFFFFFFF  }
0xa7: {  	s28 =	simm.s32 $_size_execute0_lowered;
	s2 =	sadd.s32 s2, s4;
	[dreg:$0x0] =	wrdreg $0x0  }
0xa8: {  	s4 =	sshll.u32 s28, $0x1;
	[dreg:$0x2] =	wrdreg s2  }
0xa9: {  	[dreg:$0x3] =	wrdreg s4  }
0xaa: {  	[dreg:$0x4] =	wrdreg $0xC0  }
0xab: {  	_ =	task [dreg:s6], $0x5FFFF  }
0xac: {  	[dreg:$0x1] =	wrdreg $0xFFFFFFFF  }
0xad: {  	[dreg:$0x0] =	wrdreg $0x60  }
0xae: {  	[dreg:$0x2] =	wrdreg s24  }
0xaf: {  	[dreg:$0x3] =	wrdreg $0x9  }
0xb0: {  	_ =	task.clear_ibuf [dreg:s6], $0x4FFFF;
	_ =	strace $0x90000049  }
0xb1: {  	s29 =	simm.s32 $0x9;
	_ =	strace $0x8000004B  }
0xb2: {  	_ =	swait.ge [sflag:s29], $0x1  }
0xb3: {  	[sflag:s29] =	ssyncadd.s32 $0xFFFFFFFF  }
0xb4: {  	_ =	strace $0x9000004B  }
0xb5: {  	_ =	sfence  }
0xb6: {  	s30 =	sld [smem:$0x0];
	_ =	sdelay $0x2  }
0xb7: {  	s31 =	sshll.u32 s1, $0xD;
	s1 =	sshrl.u32 s1, $0x2  }
0xb8: {  	s3 =	sand.u32 $0x4000, s31;
	s1 =	sadd.s32 s1, s30  }
0xb9: {  	s0 =	sor.u32 s3, s0;
	s1 =	sshll.u32 s1, $0x11  }
0xba: {  	s0 =	sor.u32 s1, s0  }
0xbb: {  	s0 =	sadd.s32 $0x8F2B, s0  }
0xbc: {  	[sflag:s0] =	ssyncadd.remote.s32 $0x1  }
0xbd: {  	_ =	sfence.sel $0xFFFF  }
0xbe: {  	[dreg:$0x0] =	wrdreg $0xFFFFFFFF;
	(pc) =	sbr.abs _section_cstart, $3  }
0xbf: {  	[dreg:$0x1] =	wrdreg $0xFFFFFFFF  }
0xc0: {  	_ =	task.clear_ibuf [dreg:s6], $0x2FFFF;
	_ =	strace $0x9FFFFFFF  }
0xc1: {  	(tm) =	ssettm $0x7FFFFFFF  }
tec
execute0_lowered:
.L_overlay_start_1:
0x0: {  	(tag) =	ssettag $0x1  }
0x1: {  	s1 =	srdreg.scid;
	s0 =	stileid.u32  }
0x2: {  	s4 =	rddreg [dreg:$0x0];
	s3 =	sand.u32 $0x1, s1;
	s30 =	sshll.u32 s0, $0x1  }
0x3: {  	s2 =	simm.s32 $0x0;
	s7 =	simm.s32 $0x1;
	s1 =	sor.u32 s3, s30  }
0x4: {  	s8 =	simm.s32 $0xC80;
	s3 =	ssub.s32 $0x2, s3;
	s5 =	smul.u32 $0xC80, s1  }
0x5: {  	s9 =	simm.s32 $0x0;
	[smem:$0x7FF] =	sst s2;
	s31 =	sshrl.u32 s3, $0x1  }
0x6: {  	s1 =	rddreg [dreg:$0x1];
	s6 =	ssub.s32 s3, s31;
	s5 =	sshrl.u32 s5, $0x3  }
0x7: {  	_ =	strace $0x8000004A;
	s6 =	smax.u32 s6, $0x1;
	s5 =	sadd.s32 s5, s4  }
0x8: {  	s3 =	sadd.s32 $0x800, s5;
	s4 =	sadd.s32 $0x3A00, s5;
	s5 =	sadd.s32 $0x6C00, s5  }
.LBB2_1:
0x9: {  	[tilespmem:s2], [sflag:$0x1] =	stream.linear.gather [hbm4b:s3+s2], $0xC80, $0x38;
	[tilespmem:$0x1900] =	vst v63  }
0xa: {  	_ =	swait.ge [sflag:s7], $0xC80  }
0xb: {  	[sflag:s7] =	ssyncset.done $0x0  }
0xc: {  	[sflag:s7] =	ssyncadd.s32 $0xFFFFF380  }
0xd: {  	[tilespmem:s8], [sflag:$0x1] =	stream.linear.gather [hbm4b:s4+s2], $0xC80, $0x38;
	[tilespmem:$0x1900] =	vst v63  }
0xe: {  	_ =	swait.ge [sflag:s7], $0xC80  }
0xf: {  	[sflag:s7] =	ssyncset.done $0x0  }
0x10: {  	s10 =	simm.s32 $0x40;
	[sflag:s7] =	ssyncadd.s32 $0xFFFFF380  }
0x11: {  	s11 =	simm.s32 $0xCC0;
	v1 =	vld [tilespmem:s10+$0x30]  }
0x12: {  	v2 =	vld [tilespmem:s11+$0x30]  }
0x13: {  	v0 =	vld [tilespmem:s11+$0xFFFFFFC0]  }
0x14: {  	v3 =	vld [tilespmem:s10+$0xFFFFFFD0]  }
0x15: {  	v4 =	vld [tilespmem:s11+$0xFFFFFFD0]  }
0x16: {  	v5 =	vld [tilespmem:s10+$0xFFFFFFE0]  }
0x17: {  	v6 =	vld [tilespmem:s11+$0xFFFFFFE0]  }
0x18: {  	v7 =	vld [tilespmem:s10+$0xFFFFFFF0]  }
0x19: {  	v8 =	vld [tilespmem:s11+$0xFFFFFFF0]  }
0x1a: {  	v9 =	vld [tilespmem:s10+$0x0]  }
0x1b: {  	v10 =	vld [tilespmem:s11+$0x0];
	v2 =	vadd.f32 v2, v1  }
0x1c: {  	v4 =	vadd.f32 v4, v3;
	v1 =	vld [tilespmem:s10+$0x10]  }
0x1d: {  	v5 =	vadd.f32 v6, v5;
	v3 =	vld [tilespmem:s11+$0x10];
	[tilespmem:s10+$0x30] =	vst v2  }
0x1e: {  	v6 =	vadd.f32 v8, v7;
	[tilespmem:s10+$0xFFFFFFD0] =	vst v4;
	v2 =	vld [tilespmem:s10+$0x20]  }
0x1f: {  	[tilespmem:s10+$0xFFFFFFE0] =	vst v5;
	v5 =	vld [tilespmem:s11+$0x20]  }
0x20: {  	s12 =	simm.s32 $0x0;
	s13 =	simm.s32 $0xC0;
	v4 =	vld [tilespmem:s10+$0xFFFFFFC0];
	[tilespmem:s10+$0xFFFFFFF0] =	vst v6;
	v6 =	vadd.f32 v10, v9  }
.LBB2_2:
0x21: {  	v7 =	vld [tilespmem:s13+$0x30];
	s11 =	sadd.s32 $0x80, s11  }
0x22: {  	s12 =	sadd.s32 $0x8, s12;
	v8 =	vld [tilespmem:s11+$0x30];
	[tilespmem:s10+$0x0] =	vst v6;
	v1 =	vadd.f32 v3, v1  }
0x23: {  	p0 =	slt.u32 s12, $0xC0;
	v3 =	vld [tilespmem:s11+$0xFFFFFFC0]  }
0x24: {  	v6 =	vld [tilespmem:s13+$0xFFFFFFD0];
	[tilespmem:s10+$0x10] =	vst v1;
	v1 =	vadd.f32 v5, v2  }
0x25: {  	v2 =	vld [tilespmem:s11+$0xFFFFFFD0];
	v9 =	vadd.f32 v0, v4  }
0x26: {  	v4 =	vld [tilespmem:s13+$0xFFFFFFE0];
	[tilespmem:s10+$0x20] =	vst v1  }
0x27: {  	v1 =	vld [tilespmem:s11+$0xFFFFFFE0];
	v5 =	vadd.f32 v8, v7;
	[tilespmem:s10+$0xFFFFFFC0] =	vst v9;
	s10 =	smov.u32 s13  }
0x28: {  	v7 =	vld [tilespmem:s13+$0xFFFFFFF0];
	v0 =	vmov v3  }
0x29: {  	v8 =	vld [tilespmem:s11+$0xFFFFFFF0];
	[tilespmem:s13+$0x30] =	vst v5  }
0x2a: {  	v2 =	vadd.f32 v2, v6;
	v6 =	vld [tilespmem:s13+$0x0]  }
0x2b: {  	v9 =	vld [tilespmem:s11+$0x0]  }
.Ltmp0:
0x2c: {  	[tilespmem:s13+$0xFFFFFFD0] =	vst v2;
	v2 =	vadd.f32 v1, v4;
	v1 =	vld [tilespmem:s13+$0x10];
	(pc) =	sbr.rel @p0 .LBB2_2-.Ltmp0, $4  }
0x2d: {  	v3 =	vld [tilespmem:s11+$0x10]  }
0x2e: {  	[tilespmem:s13+$0xFFFFFFE0] =	vst v2;
	v7 =	vadd.f32 v8, v7;
	v2 =	vld [tilespmem:s13+$0x20]  }
0x2f: {  	v5 =	vld [tilespmem:s11+$0x20]  }
0x30: {  	s13 =	sadd.s32 $0x80, s13;
	v4 =	vld [tilespmem:s10+$0xFFFFFFC0];
	[tilespmem:s10+$0xFFFFFFF0] =	vst v7;
	v6 =	vadd.f32 v9, v6  }
0x31: {  	_ =	sdelay $0x1  }
0x32: {  	v1 =	vadd.f32 v3, v1  }
0x33: {  	[tilespmem:s10+$0x0] =	vst v6;
	v2 =	vadd.f32 v5, v2  }
0x34: {  	s9 =	sadd.s32 $0x1, s9;
	[tilespmem:s10+$0x10] =	vst v1;
	v0 =	vadd.f32 v0, v4  }
0x35: {  	p0 =	sne.s32 s9, s6;
	[tilespmem:s10+$0x20] =	vst v2  }
.Ltmp1:
0x36: {  	[tilespmem:s10+$0xFFFFFFC0] =	vst v0;
	(pc) =	sbr.rel @p0 .LBB2_1-.Ltmp1, $4  }
0x37: {  	[hbm4b:s5+s2] =	stream.linear.scatter [tilespmem:s2], [sflag:$0x1], $0xC80, $0x38;
	[tilespmem:$0x1900] =	vst v63  }
0x38: {  	_ =	swait.ge [sflag:s7], $0xC80  }
0x39: {  	[sflag:s7] =	ssyncset.done $0x0  }
0x3a: {  	[sflag:s7] =	ssyncadd.s32 $0xFFFFF380  }
0x3b: {  	_ =	sfence.sel $0x180000  }
0x3c: {  	[bflag:$0x0] =	sbarrier.arrive $0xFFFF  }
0x3d: {  	p0 =	sne.s32 s0, $0x0;
	_ =	strace $0x9000004A  }
0x3e: {  	s0 =	sadd.s32 @!p0 $0x100000, s1;
	[bflag:$0x2] =	sbarrier.arrive $0xFFFF  }
0x3f: {  	[sflag:s0] =	ssyncadd.tile.s32 @!p0 $0x1;
	_ =	shalt  }
.Lfunc_end2:
_tile_overlayer_lowered:
.L_overlay_start_2:
0x40: {  	(tag) =	ssettag $0x2  }
0x41: {  	s0 =	rddreg [dreg:$0x0];
	s2 =	stileid.u32  }
0x42: {  	s1 =	rddreg [dreg:$0x1];
	p0 =	sne.s32 s2, $0x0  }
0x43: {  	s3 =	rddreg [dreg:$0x2];
	[bflag:$0x3] =	sbarrier.arrive $0xFFFF;
	s2 =	simm.s32 @!p0 $0x1C01  }
0x44: {  	[timem:s3], [sflag:s2] =	dma.local @!p0 [hbm:s0], s1  }
0x45: {  	s0 =	simm.s32 @!p0 $0x1  }
0x46: {  	_ =	swait.ge @!p0 [sflag:s0], s1  }
0x47: {  	s1 =	ssub.s32 @!p0 $0x0, s1;
	[sflag:s0] =	ssyncset.done @!p0 $0x0  }
0x48: {  	[sflag:s0] =	ssyncadd.s32 @!p0 s1  }
0x49: {  	[bflag:$0x3] =	sbarrier.arrive $0xFFFF  }
0x4a: {  	_ =	shalt  }

</sc_bundles>
